<compile_context>
chip_gen: v7x
topology: tpu7x:2x2x1
jax: 0.10.2.dev20260603
libtpu: 0.0.44.dev20260713+nightly
codegen_flags: <defaults>
</compile_context>

<pallas_src>
import functools

import jax
import jax.numpy as jnp
from jax import lax
from jax.experimental import pallas as pl
from jax.experimental.pallas import tpu as pltpu
from jax.experimental.pallas import tpu_sc as plsc


def _build_pos_kernel(b, d, h, w):
  c2 = 2 * d
  mesh = plsc.VectorSubcoreMesh(core_axis_name="c", subcore_axis_name="s")

  @functools.partial(
      pl.kernel,
      mesh=mesh,
      compiler_params=pltpu.CompilerParams(needs_layout_passes=False),
      out_type=jax.ShapeDtypeStruct((b, h, w, c2), jnp.float32),
      scratch_types=[
          pltpu.VMEM((w, c2), jnp.float32),
          pltpu.VMEM((8, d), jnp.float32),
          pltpu.SemaphoreType.DMA,
      ],
  )
  def pos_kernel(row_hbm, col_hbm, out_hbm, plane_v, rowbuf_v, sem):
    cid = lax.axis_index("c")
    sid = lax.axis_index("s")
    hh = sid * 2 + cid

    pltpu.sync_copy(col_hbm.at[pl.ds(0, w), :], plane_v.at[:, pl.ds(0, d)])
    h8 = (hh // 8) * 8
    pltpu.sync_copy(row_hbm.at[pl.ds(h8, 8), :], rowbuf_v)
    hrow = hh - h8
    vecs = [rowbuf_v[hrow, pl.ds(16 * k, 16)] for k in range(d // 16)]

    def fill(w1, carry):
      for k, v in enumerate(vecs):
        plane_v[w1, pl.ds(d + 16 * k, 16)] = v
      return carry

    lax.fori_loop(0, w, fill, 0)

    handles = []
    for bb in range(b):
      handles.append(pltpu.async_copy(plane_v, out_hbm.at[bb, hh], sem))
    for hd in handles:
      hd.wait()

  return pos_kernel


def kernel(x, row_embed, col_embed):
  b = x.shape[0]
  h = x.shape[-2]
  w = x.shape[-1]
  d = col_embed.shape[-1]
  out_phys = _build_pos_kernel(b, d, h, w)(row_embed, col_embed)
  return jnp.transpose(out_phys, (0, 3, 1, 2))

# --- scband reference (transcript-rebuilt; emitter-appended) ---
"""Pipeline reference for scband-position-embedding-learned-12902081757208 (READ-ONLY COPY).

The authoritative reference and input builder live on the scoring server;
editing this copy changes nothing except your own understanding.
"""

import jax, jax.numpy as jnp
import numpy as np

NUM_POS_FEATS = 256

def setup_inputs(seed: int = 0) -> dict:
    key = jax.random.key(seed)
    k1, k2, k3 = jax.random.split(key, 3)
    x = jax.random.normal(k1, (16, 768, 32, 32), dtype=jnp.float32)
    row_embed = jax.random.uniform(k2, (64, NUM_POS_FEATS), dtype=jnp.float32)
    col_embed = jax.random.uniform(k3, (64, NUM_POS_FEATS), dtype=jnp.float32)
    return {"x": x, "row_embed": row_embed, "col_embed": col_embed}

def reference(x, row_embed, col_embed):
    h = x.shape[-2]
    w = x.shape[-1]
    i = jnp.arange(w)
    j = jnp.arange(h)
    x_emb = jnp.take(col_embed, i, axis=0)  # [w, d]
    y_emb = jnp.take(row_embed, j, axis=0)  # [h, d]
    a = jnp.broadcast_to(x_emb[None, :, :], (h, w, x_emb.shape[-1]))  # repeat over rows
    b = jnp.broadcast_to(y_emb[:, None, :], (h, w, y_emb.shape[-1]))  # repeat over cols
    pos = jnp.concatenate([a, b], axis=-1)  # [h, w, 2d]
    pos = jnp.transpose(pos, (2, 0, 1))[None, ...]  # [1, 2d, h, w]
    pos = jnp.broadcast_to(pos, (x.shape[0],) + pos.shape[1:])  # [B, 2d, h, w]
    return pos

if __name__ == "__main__":
    import jax
    _d = setup_inputs()
    print(jax.jit(kernel)(*tuple(_d.values())))

</pallas_src>

<mosaic_0001>
#map = affine_map<(d0, d1) -> (0, 0)>
#map1 = affine_map<(d0, d1) -> (0, 0, 0, 0)>
module attributes {stable_mosaic.version = 14 : i64} {
  func.func @pos_kernel(%arg0: i32, %arg1: i32, %arg2: memref<64x256xf32, #tpu.memory_space<hbm>>, %arg3: memref<64x256xf32, #tpu.memory_space<hbm>>, %arg4: memref<16x32x32x512xf32, #tpu.memory_space<hbm>>, %arg5: memref<32x512xf32, #tpu.memory_space<vmem>>, %arg6: memref<8x256xf32, #tpu.memory_space<vmem>>, %arg7: memref<!tpu.dma_semaphore, #tpu.memory_space<semaphore_mem>>) attributes {dimension_semantics = [#tpu.dimension_semantics<core_parallel>, #tpu.dimension_semantics<subcore_parallel>], iteration_bounds = array<i64: 2, 16>, scalar_prefetch = 0 : i64, scratch_operands = 3 : i64, tpu.core_type = #tpu.core_type<sc_vector_subcore>, window_params = [{transform_indices = #map}, {transform_indices = #map}, {transform_indices = #map1}]} {
    %mul3A = arith.constant 2 : i32
    %mul3A_0 = arith.muli %arg1, %mul3A : i32
    %add3A = arith.addi %mul3A_0, %arg0 : i32
    "tpu.region"() ({
      %run_scoped3A = tpu.sem_alloc : memref<!tpu.dma_semaphore, #tpu.memory_space<semaphore_mem>>
      %dma_start3A_358 = arith.constant 0 : i32
      %dma_start3A_359 = arith.constant 0 : i32
      %dma_start3A_360 = tpu.memref_slice %arg5[%dma_start3A_358, %dma_start3A_359] : memref<32x512xf32, #tpu.memory_space<vmem>> -> memref<32x256xf32, #tpu.memory_space<vmem>>
      %dma_start3A_361 = arith.constant 0 : i32
      %dma_start3A_362 = arith.constant 0 : i32
      %dma_start3A_363 = tpu.memref_slice %arg3[%dma_start3A_361, %dma_start3A_362] : memref<64x256xf32, #tpu.memory_space<hbm>> -> memref<32x256xf32, #tpu.memory_space<hbm>>
      %dma_start3A_364 = arith.constant 0 : i32
      %dma_start3A_365 = arith.constant 0 : i32
      %dma_start3A_366 = tpu.memref_slice %arg5[%dma_start3A_364, %dma_start3A_365] : memref<32x512xf32, #tpu.memory_space<vmem>> -> memref<32x256xf32, #tpu.memory_space<vmem>>
      %dma_start3A_367 = arith.constant 0 : i32
      %dma_start3A_368 = arith.constant 0 : i32
      %dma_start3A_369 = tpu.memref_slice %arg3[%dma_start3A_367, %dma_start3A_368] : memref<64x256xf32, #tpu.memory_space<hbm>> -> memref<32x256xf32, #tpu.memory_space<hbm>>
      tpu.enqueue_dma source(%dma_start3A_369 : memref<32x256xf32, #tpu.memory_space<hbm>>) target(%dma_start3A_366 : memref<32x256xf32, #tpu.memory_space<vmem>>) target_semaphore(%run_scoped3A : memref<!tpu.dma_semaphore, #tpu.memory_space<semaphore_mem>>)
      %dma_wait3A_370 = arith.constant 0 : i32
      %dma_wait3A_371 = arith.constant 0 : i32
      %dma_wait3A_372 = tpu.memref_slice %arg5[%dma_wait3A_370, %dma_wait3A_371] : memref<32x512xf32, #tpu.memory_space<vmem>> -> memref<32x256xf32, #tpu.memory_space<vmem>>
      %dma_wait3A_373 = arith.constant 0 : i32
      %dma_wait3A_374 = arith.constant 0 : i32
      %dma_wait3A_375 = tpu.memref_slice %arg3[%dma_wait3A_373, %dma_wait3A_374] : memref<64x256xf32, #tpu.memory_space<hbm>> -> memref<32x256xf32, #tpu.memory_space<hbm>>
      %dma_wait3A_376 = arith.constant 0 : i32
      %dma_wait3A_377 = arith.constant 0 : i32
      %dma_wait3A_378 = tpu.memref_slice %arg5[%dma_wait3A_376, %dma_wait3A_377] : memref<32x512xf32, #tpu.memory_space<vmem>> -> memref<32x256xf32, #tpu.memory_space<vmem>>
      %dma_wait3A_379 = arith.constant 0 : i32
      %dma_wait3A_380 = arith.constant 0 : i32
      %dma_wait3A_381 = tpu.memref_slice %arg3[%dma_wait3A_379, %dma_wait3A_380] : memref<64x256xf32, #tpu.memory_space<hbm>> -> memref<32x256xf32, #tpu.memory_space<hbm>>
      tpu.wait_dma2 semaphore(%run_scoped3A : memref<!tpu.dma_semaphore, #tpu.memory_space<semaphore_mem>>) src(%dma_wait3A_381 : memref<32x256xf32, #tpu.memory_space<hbm>>) dst(%dma_wait3A_378 : memref<32x256xf32, #tpu.memory_space<vmem>>)
      tpu.yield
    }) : () -> ()
    %jit3A = arith.constant 8 : i32
    %div3A = arith.divsi %add3A, %jit3A : i32
    %sign3A = arith.constant 0 : i32
    %sign3A_1 = arith.cmpi sgt, %add3A, %sign3A : i32
    %sign3A_2 = arith.extui %sign3A_1 : i1 to i32
    %sign3A_3 = arith.constant 0 : i32
    %sign3A_4 = arith.cmpi slt, %add3A, %sign3A_3 : i32
    %sign3A_5 = arith.extui %sign3A_4 : i1 to i32
    %sign3A_6 = arith.subi %sign3A_2, %sign3A_5 : i32
    %sign3A_7 = arith.constant 0 : i32
    %sign3A_8 = arith.cmpi sgt, %jit3A, %sign3A_7 : i32
    %sign3A_9 = arith.extui %sign3A_8 : i1 to i32
    %sign3A_10 = arith.constant 0 : i32
    %sign3A_11 = arith.cmpi slt, %jit3A, %sign3A_10 : i32
    %sign3A_12 = arith.extui %sign3A_11 : i1 to i32
    %sign3A_13 = arith.subi %sign3A_9, %sign3A_12 : i32
    %ne3A = arith.cmpi ne, %sign3A_6, %sign3A_13 : i32
    %rem3A = arith.remsi %add3A, %jit3A : i32
    %ne3A_14 = arith.constant 0 : i32
    %ne3A_15 = arith.cmpi ne, %rem3A, %ne3A_14 : i32
    %and3A = arith.andi %ne3A, %ne3A_15 : i1
    %sub3A = arith.constant 1 : i32
    %sub3A_16 = arith.subi %div3A, %sub3A : i32
    %select_n3A = arith.select %and3A, %sub3A_16, %div3A : i32
    %mul3A_17 = arith.constant 8 : i32
    %mul3A_18 = arith.muli %select_n3A, %mul3A_17 : i32
    "tpu.region"() ({
      %run_scoped3A = tpu.sem_alloc : memref<!tpu.dma_semaphore, #tpu.memory_space<semaphore_mem>>
      %dma_start3A_358 = arith.constant 0 : i32
      %dma_start3A_359 = tpu.memref_slice %arg2[%mul3A_18, %dma_start3A_358] : memref<64x256xf32, #tpu.memory_space<hbm>> -> memref<8x256xf32, #tpu.memory_space<hbm>>
      %dma_start3A_360 = arith.constant 0 : i32
      %dma_start3A_361 = tpu.memref_slice %arg2[%mul3A_18, %dma_start3A_360] : memref<64x256xf32, #tpu.memory_space<hbm>> -> memref<8x256xf32, #tpu.memory_space<hbm>>
      tpu.enqueue_dma source(%dma_start3A_361 : memref<8x256xf32, #tpu.memory_space<hbm>>) target(%arg6 : memref<8x256xf32, #tpu.memory_space<vmem>>) target_semaphore(%run_scoped3A : memref<!tpu.dma_semaphore, #tpu.memory_space<semaphore_mem>>)
      %dma_wait3A_362 = arith.constant 0 : i32
      %dma_wait3A_363 = tpu.memref_slice %arg2[%mul3A_18, %dma_wait3A_362] : memref<64x256xf32, #tpu.memory_space<hbm>> -> memref<8x256xf32, #tpu.memory_space<hbm>>
      %dma_wait3A_364 = arith.constant 0 : i32
      %dma_wait3A_365 = tpu.memref_slice %arg2[%mul3A_18, %dma_wait3A_364] : memref<64x256xf32, #tpu.memory_space<hbm>> -> memref<8x256xf32, #tpu.memory_space<hbm>>
      tpu.wait_dma2 semaphore(%run_scoped3A : memref<!tpu.dma_semaphore, #tpu.memory_space<semaphore_mem>>) src(%dma_wait3A_365 : memref<8x256xf32, #tpu.memory_space<hbm>>) dst(%arg6 : memref<8x256xf32, #tpu.memory_space<vmem>>)
      tpu.yield
    }) : () -> ()
    %sub3A_19 = arith.subi %add3A, %mul3A_18 : i32
    %get3A = arith.index_cast %sub3A_19 : i32 to index
    %get3A_20 = arith.constant 0 : index
    %get3A_21 = tpu.vector_load %arg6[%get3A, %get3A_20] {strides = array<i32>} : memref<8x256xf32, #tpu.memory_space<vmem>>, vector<16xf32>,
    %get3A_22 = arith.index_cast %sub3A_19 : i32 to index
    %get3A_23 = arith.constant 16 : index
    %get3A_24 = tpu.vector_load %arg6[%get3A_22, %get3A_23] {strides = array<i32>} : memref<8x256xf32, #tpu.memory_space<vmem>>, vector<16xf32>,
    %get3A_25 = arith.index_cast %sub3A_19 : i32 to index
    %get3A_26 = arith.constant 32 : index
    %get3A_27 = tpu.vector_load %arg6[%get3A_25, %get3A_26] {strides = array<i32>} : memref<8x256xf32, #tpu.memory_space<vmem>>, vector<16xf32>,
    %get3A_28 = arith.index_cast %sub3A_19 : i32 to index
    %get3A_29 = arith.constant 48 : index
    %get3A_30 = tpu.vector_load %arg6[%get3A_28, %get3A_29] {strides = array<i32>} : memref<8x256xf32, #tpu.memory_space<vmem>>, vector<16xf32>,
    %get3A_31 = arith.index_cast %sub3A_19 : i32 to index
    %get3A_32 = arith.constant 64 : index
    %get3A_33 = tpu.vector_load %arg6[%get3A_31, %get3A_32] {strides = array<i32>} : memref<8x256xf32, #tpu.memory_space<vmem>>, vector<16xf32>,
    %get3A_34 = arith.index_cast %sub3A_19 : i32 to index
    %get3A_35 = arith.constant 80 : index
    %get3A_36 = tpu.vector_load %arg6[%get3A_34, %get3A_35] {strides = array<i32>} : memref<8x256xf32, #tpu.memory_space<vmem>>, vector<16xf32>,
    %get3A_37 = arith.index_cast %sub3A_19 : i32 to index
    %get3A_38 = arith.constant 96 : index
    %get3A_39 = tpu.vector_load %arg6[%get3A_37, %get3A_38] {strides = array<i32>} : memref<8x256xf32, #tpu.memory_space<vmem>>, vector<16xf32>,
    %get3A_40 = arith.index_cast %sub3A_19 : i32 to index
    %get3A_41 = arith.constant 112 : index
    %get3A_42 = tpu.vector_load %arg6[%get3A_40, %get3A_41] {strides = array<i32>} : memref<8x256xf32, #tpu.memory_space<vmem>>, vector<16xf32>,
    %get3A_43 = arith.index_cast %sub3A_19 : i32 to index
    %get3A_44 = arith.constant 128 : index
    %get3A_45 = tpu.vector_load %arg6[%get3A_43, %get3A_44] {strides = array<i32>} : memref<8x256xf32, #tpu.memory_space<vmem>>, vector<16xf32>,
    %get3A_46 = arith.index_cast %sub3A_19 : i32 to index
    %get3A_47 = arith.constant 144 : index
    %get3A_48 = tpu.vector_load %arg6[%get3A_46, %get3A_47] {strides = array<i32>} : memref<8x256xf32, #tpu.memory_space<vmem>>, vector<16xf32>,
    %get3A_49 = arith.index_cast %sub3A_19 : i32 to index
    %get3A_50 = arith.constant 160 : index
    %get3A_51 = tpu.vector_load %arg6[%get3A_49, %get3A_50] {strides = array<i32>} : memref<8x256xf32, #tpu.memory_space<vmem>>, vector<16xf32>,
    %get3A_52 = arith.index_cast %sub3A_19 : i32 to index
    %get3A_53 = arith.constant 176 : index
    %get3A_54 = tpu.vector_load %arg6[%get3A_52, %get3A_53] {strides = array<i32>} : memref<8x256xf32, #tpu.memory_space<vmem>>, vector<16xf32>,
    %get3A_55 = arith.index_cast %sub3A_19 : i32 to index
    %get3A_56 = arith.constant 192 : index
    %get3A_57 = tpu.vector_load %arg6[%get3A_55, %get3A_56] {strides = array<i32>} : memref<8x256xf32, #tpu.memory_space<vmem>>, vector<16xf32>,
    %get3A_58 = arith.index_cast %sub3A_19 : i32 to index
    %get3A_59 = arith.constant 208 : index
    %get3A_60 = tpu.vector_load %arg6[%get3A_58, %get3A_59] {strides = array<i32>} : memref<8x256xf32, #tpu.memory_space<vmem>>, vector<16xf32>,
    %get3A_61 = arith.index_cast %sub3A_19 : i32 to index
    %get3A_62 = arith.constant 224 : index
    %get3A_63 = tpu.vector_load %arg6[%get3A_61, %get3A_62] {strides = array<i32>} : memref<8x256xf32, #tpu.memory_space<vmem>>, vector<16xf32>,
    %get3A_64 = arith.index_cast %sub3A_19 : i32 to index
    %get3A_65 = arith.constant 240 : index
    %get3A_66 = tpu.vector_load %arg6[%get3A_64, %get3A_65] {strides = array<i32>} : memref<8x256xf32, #tpu.memory_space<vmem>>, vector<16xf32>,
    %scan3A = arith.constant 0 : i32
    %scan3A_67 = arith.constant 0 : i32
    %scan3A_68 = arith.constant 32 : i32
    %scan3A_69 = arith.addi %scan3A_67, %scan3A_68 : i32
    %scan3A_70 = arith.constant 1 : i32
    scf.for %scan3A_358 = %scan3A_67 to %scan3A_69 step %scan3A_70  : i32 {
      %swap3A = arith.index_cast %scan3A_358 : i32 to index
      %swap3A_359 = arith.constant 256 : index
      %swap3A_360 = tpu.vector_load %arg5[%swap3A, %swap3A_359] {strides = array<i32>} : memref<32x512xf32, #tpu.memory_space<vmem>>, vector<16xf32>,
      tpu.vector_store %arg5[%swap3A, %swap3A_359], %get3A_21 {strides = array<i32>} : memref<32x512xf32, #tpu.memory_space<vmem>>, vector<16xf32>,
      %swap3A_361 = arith.index_cast %scan3A_358 : i32 to index
      %swap3A_362 = arith.constant 272 : index
      %swap3A_363 = tpu.vector_load %arg5[%swap3A_361, %swap3A_362] {strides = array<i32>} : memref<32x512xf32, #tpu.memory_space<vmem>>, vector<16xf32>,
      tpu.vector_store %arg5[%swap3A_361, %swap3A_362], %get3A_24 {strides = array<i32>} : memref<32x512xf32, #tpu.memory_space<vmem>>, vector<16xf32>,
      %swap3A_364 = arith.index_cast %scan3A_358 : i32 to index
      %swap3A_365 = arith.constant 288 : index
      %swap3A_366 = tpu.vector_load %arg5[%swap3A_364, %swap3A_365] {strides = array<i32>} : memref<32x512xf32, #tpu.memory_space<vmem>>, vector<16xf32>,
      tpu.vector_store %arg5[%swap3A_364, %swap3A_365], %get3A_27 {strides = array<i32>} : memref<32x512xf32, #tpu.memory_space<vmem>>, vector<16xf32>,
      %swap3A_367 = arith.index_cast %scan3A_358 : i32 to index
      %swap3A_368 = arith.constant 304 : index
      %swap3A_369 = tpu.vector_load %arg5[%swap3A_367, %swap3A_368] {strides = array<i32>} : memref<32x512xf32, #tpu.memory_space<vmem>>, vector<16xf32>,
      tpu.vector_store %arg5[%swap3A_367, %swap3A_368], %get3A_30 {strides = array<i32>} : memref<32x512xf32, #tpu.memory_space<vmem>>, vector<16xf32>,
      %swap3A_370 = arith.index_cast %scan3A_358 : i32 to index
      %swap3A_371 = arith.constant 320 : index
      %swap3A_372 = tpu.vector_load %arg5[%swap3A_370, %swap3A_371] {strides = array<i32>} : memref<32x512xf32, #tpu.memory_space<vmem>>, vector<16xf32>,
      tpu.vector_store %arg5[%swap3A_370, %swap3A_371], %get3A_33 {strides = array<i32>} : memref<32x512xf32, #tpu.memory_space<vmem>>, vector<16xf32>,
      %swap3A_373 = arith.index_cast %scan3A_358 : i32 to index
      %swap3A_374 = arith.constant 336 : index
      %swap3A_375 = tpu.vector_load %arg5[%swap3A_373, %swap3A_374] {strides = array<i32>} : memref<32x512xf32, #tpu.memory_space<vmem>>, vector<16xf32>,
      tpu.vector_store %arg5[%swap3A_373, %swap3A_374], %get3A_36 {strides = array<i32>} : memref<32x512xf32, #tpu.memory_space<vmem>>, vector<16xf32>,
      %swap3A_376 = arith.index_cast %scan3A_358 : i32 to index
      %swap3A_377 = arith.constant 352 : index
      %swap3A_378 = tpu.vector_load %arg5[%swap3A_376, %swap3A_377] {strides = array<i32>} : memref<32x512xf32, #tpu.memory_space<vmem>>, vector<16xf32>,
      tpu.vector_store %arg5[%swap3A_376, %swap3A_377], %get3A_39 {strides = array<i32>} : memref<32x512xf32, #tpu.memory_space<vmem>>, vector<16xf32>,
      %swap3A_379 = arith.index_cast %scan3A_358 : i32 to index
      %swap3A_380 = arith.constant 368 : index
      %swap3A_381 = tpu.vector_load %arg5[%swap3A_379, %swap3A_380] {strides = array<i32>} : memref<32x512xf32, #tpu.memory_space<vmem>>, vector<16xf32>,
      tpu.vector_store %arg5[%swap3A_379, %swap3A_380], %get3A_42 {strides = array<i32>} : memref<32x512xf32, #tpu.memory_space<vmem>>, vector<16xf32>,
      %swap3A_382 = arith.index_cast %scan3A_358 : i32 to index
      %swap3A_383 = arith.constant 384 : index
      %swap3A_384 = tpu.vector_load %arg5[%swap3A_382, %swap3A_383] {strides = array<i32>} : memref<32x512xf32, #tpu.memory_space<vmem>>, vector<16xf32>,
      tpu.vector_store %arg5[%swap3A_382, %swap3A_383], %get3A_45 {strides = array<i32>} : memref<32x512xf32, #tpu.memory_space<vmem>>, vector<16xf32>,
      %swap3A_385 = arith.index_cast %scan3A_358 : i32 to index
      %swap3A_386 = arith.constant 400 : index
      %swap3A_387 = tpu.vector_load %arg5[%swap3A_385, %swap3A_386] {strides = array<i32>} : memref<32x512xf32, #tpu.memory_space<vmem>>, vector<16xf32>,
      tpu.vector_store %arg5[%swap3A_385, %swap3A_386], %get3A_48 {strides = array<i32>} : memref<32x512xf32, #tpu.memory_space<vmem>>, vector<16xf32>,
      %swap3A_388 = arith.index_cast %scan3A_358 : i32 to index
      %swap3A_389 = arith.constant 416 : index
      %swap3A_390 = tpu.vector_load %arg5[%swap3A_388, %swap3A_389] {strides = array<i32>} : memref<32x512xf32, #tpu.memory_space<vmem>>, vector<16xf32>,
      tpu.vector_store %arg5[%swap3A_388, %swap3A_389], %get3A_51 {strides = array<i32>} : memref<32x512xf32, #tpu.memory_space<vmem>>, vector<16xf32>,
      %swap3A_391 = arith.index_cast %scan3A_358 : i32 to index
      %swap3A_392 = arith.constant 432 : index
      %swap3A_393 = tpu.vector_load %arg5[%swap3A_391, %swap3A_392] {strides = array<i32>} : memref<32x512xf32, #tpu.memory_space<vmem>>, vector<16xf32>,
      tpu.vector_store %arg5[%swap3A_391, %swap3A_392], %get3A_54 {strides = array<i32>} : memref<32x512xf32, #tpu.memory_space<vmem>>, vector<16xf32>,
      %swap3A_394 = arith.index_cast %scan3A_358 : i32 to index
      %swap3A_395 = arith.constant 448 : index
      %swap3A_396 = tpu.vector_load %arg5[%swap3A_394, %swap3A_395] {strides = array<i32>} : memref<32x512xf32, #tpu.memory_space<vmem>>, vector<16xf32>,
      tpu.vector_store %arg5[%swap3A_394, %swap3A_395], %get3A_57 {strides = array<i32>} : memref<32x512xf32, #tpu.memory_space<vmem>>, vector<16xf32>,
      %swap3A_397 = arith.index_cast %scan3A_358 : i32 to index
      %swap3A_398 = arith.constant 464 : index
      %swap3A_399 = tpu.vector_load %arg5[%swap3A_397, %swap3A_398] {strides = array<i32>} : memref<32x512xf32, #tpu.memory_space<vmem>>, vector<16xf32>,
      tpu.vector_store %arg5[%swap3A_397, %swap3A_398], %get3A_60 {strides = array<i32>} : memref<32x512xf32, #tpu.memory_space<vmem>>, vector<16xf32>,
      %swap3A_400 = arith.index_cast %scan3A_358 : i32 to index
      %swap3A_401 = arith.constant 480 : index
      %swap3A_402 = tpu.vector_load %arg5[%swap3A_400, %swap3A_401] {strides = array<i32>} : memref<32x512xf32, #tpu.memory_space<vmem>>, vector<16xf32>,
      tpu.vector_store %arg5[%swap3A_400, %swap3A_401], %get3A_63 {strides = array<i32>} : memref<32x512xf32, #tpu.memory_space<vmem>>, vector<16xf32>,
      %swap3A_403 = arith.index_cast %scan3A_358 : i32 to index
      %swap3A_404 = arith.constant 496 : index
      %swap3A_405 = tpu.vector_load %arg5[%swap3A_403, %swap3A_404] {strides = array<i32>} : memref<32x512xf32, #tpu.memory_space<vmem>>, vector<16xf32>,
      tpu.vector_store %arg5[%swap3A_403, %swap3A_404], %get3A_66 {strides = array<i32>} : memref<32x512xf32, #tpu.memory_space<vmem>>, vector<16xf32>,
    }
    %scan3A_71 = arith.constant 32 : i32
    %dma_start3A = arith.constant 0 : i32
    %dma_start3A_72 = arith.constant 0 : i32
    %dma_start3A_73 = arith.constant 0 : i32
    %dma_start3A_74 = tpu.memref_slice %arg4[%dma_start3A, %add3A, %dma_start3A_72, %dma_start3A_73] : memref<16x32x32x512xf32, #tpu.memory_space<hbm>> -> memref<1x1x32x512xf32, #tpu.memory_space<hbm>>
    %dma_start3A_75 = tpu.memref_squeeze %dma_start3A_74 : memref<1x1x32x512xf32, #tpu.memory_space<hbm>> -> memref<32x512xf32, #tpu.memory_space<hbm>>
    %dma_start3A_76 = arith.constant 0 : i32
    %dma_start3A_77 = arith.constant 0 : i32
    %dma_start3A_78 = tpu.memref_slice %arg4[%dma_start3A, %add3A, %dma_start3A_76, %dma_start3A_77] : memref<16x32x32x512xf32, #tpu.memory_space<hbm>> -> memref<1x1x32x512xf32, #tpu.memory_space<hbm>>
    %dma_start3A_79 = tpu.memref_squeeze %dma_start3A_78 : memref<1x1x32x512xf32, #tpu.memory_space<hbm>> -> memref<32x512xf32, #tpu.memory_space<hbm>>
    tpu.enqueue_dma source(%arg5 : memref<32x512xf32, #tpu.memory_space<vmem>>) target(%dma_start3A_79 : memref<32x512xf32, #tpu.memory_space<hbm>>) target_semaphore(%arg7 : memref<!tpu.dma_semaphore, #tpu.memory_space<semaphore_mem>>)
    %dma_start3A_80 = arith.constant 1 : i32
    %dma_start3A_81 = arith.constant 0 : i32
    %dma_start3A_82 = arith.constant 0 : i32
    %dma_start3A_83 = tpu.memref_slice %arg4[%dma_start3A_80, %add3A, %dma_start3A_81, %dma_start3A_82] : memref<16x32x32x512xf32, #tpu.memory_space<hbm>> -> memref<1x1x32x512xf32, #tpu.memory_space<hbm>>
    %dma_start3A_84 = tpu.memref_squeeze %dma_start3A_83 : memref<1x1x32x512xf32, #tpu.memory_space<hbm>> -> memref<32x512xf32, #tpu.memory_space<hbm>>
    %dma_start3A_85 = arith.constant 0 : i32
    %dma_start3A_86 = arith.constant 0 : i32
    %dma_start3A_87 = tpu.memref_slice %arg4[%dma_start3A_80, %add3A, %dma_start3A_85, %dma_start3A_86] : memref<16x32x32x512xf32, #tpu.memory_space<hbm>> -> memref<1x1x32x512xf32, #tpu.memory_space<hbm>>
    %dma_start3A_88 = tpu.memref_squeeze %dma_start3A_87 : memref<1x1x32x512xf32, #tpu.memory_space<hbm>> -> memref<32x512xf32, #tpu.memory_space<hbm>>
    tpu.enqueue_dma source(%arg5 : memref<32x512xf32, #tpu.memory_space<vmem>>) target(%dma_start3A_88 : memref<32x512xf32, #tpu.memory_space<hbm>>) target_semaphore(%arg7 : memref<!tpu.dma_semaphore, #tpu.memory_space<semaphore_mem>>)
    %dma_start3A_89 = arith.constant 2 : i32
    %dma_start3A_90 = arith.constant 0 : i32
    %dma_start3A_91 = arith.constant 0 : i32
    %dma_start3A_92 = tpu.memref_slice %arg4[%dma_start3A_89, %add3A, %dma_start3A_90, %dma_start3A_91] : memref<16x32x32x512xf32, #tpu.memory_space<hbm>> -> memref<1x1x32x512xf32, #tpu.memory_space<hbm>>
    %dma_start3A_93 = tpu.memref_squeeze %dma_start3A_92 : memref<1x1x32x512xf32, #tpu.memory_space<hbm>> -> memref<32x512xf32, #tpu.memory_space<hbm>>
    %dma_start3A_94 = arith.constant 0 : i32
    %dma_start3A_95 = arith.constant 0 : i32
    %dma_start3A_96 = tpu.memref_slice %arg4[%dma_start3A_89, %add3A, %dma_start3A_94, %dma_start3A_95] : memref<16x32x32x512xf32, #tpu.memory_space<hbm>> -> memref<1x1x32x512xf32, #tpu.memory_space<hbm>>
    %dma_start3A_97 = tpu.memref_squeeze %dma_start3A_96 : memref<1x1x32x512xf32, #tpu.memory_space<hbm>> -> memref<32x512xf32, #tpu.memory_space<hbm>>
    tpu.enqueue_dma source(%arg5 : memref<32x512xf32, #tpu.memory_space<vmem>>) target(%dma_start3A_97 : memref<32x512xf32, #tpu.memory_space<hbm>>) target_semaphore(%arg7 : memref<!tpu.dma_semaphore, #tpu.memory_space<semaphore_mem>>)
    %dma_start3A_98 = arith.constant 3 : i32
    %dma_start3A_99 = arith.constant 0 : i32
    %dma_start3A_100 = arith.constant 0 : i32
    %dma_start3A_101 = tpu.memref_slice %arg4[%dma_start3A_98, %add3A, %dma_start3A_99, %dma_start3A_100] : memref<16x32x32x512xf32, #tpu.memory_space<hbm>> -> memref<1x1x32x512xf32, #tpu.memory_space<hbm>>
    %dma_start3A_102 = tpu.memref_squeeze %dma_start3A_101 : memref<1x1x32x512xf32, #tpu.memory_space<hbm>> -> memref<32x512xf32, #tpu.memory_space<hbm>>
    %dma_start3A_103 = arith.constant 0 : i32
    %dma_start3A_104 = arith.constant 0 : i32
    %dma_start3A_105 = tpu.memref_slice %arg4[%dma_start3A_98, %add3A, %dma_start3A_103, %dma_start3A_104] : memref<16x32x32x512xf32, #tpu.memory_space<hbm>> -> memref<1x1x32x512xf32, #tpu.memory_space<hbm>>
    %dma_start3A_106 = tpu.memref_squeeze %dma_start3A_105 : memref<1x1x32x512xf32, #tpu.memory_space<hbm>> -> memref<32x512xf32, #tpu.memory_space<hbm>>
    tpu.enqueue_dma source(%arg5 : memref<32x512xf32, #tpu.memory_space<vmem>>) target(%dma_start3A_106 : memref<32x512xf32, #tpu.memory_space<hbm>>) target_semaphore(%arg7 : memref<!tpu.dma_semaphore, #tpu.memory_space<semaphore_mem>>)
    %dma_start3A_107 = arith.constant 4 : i32
    %dma_start3A_108 = arith.constant 0 : i32
    %dma_start3A_109 = arith.constant 0 : i32
    %dma_start3A_110 = tpu.memref_slice %arg4[%dma_start3A_107, %add3A, %dma_start3A_108, %dma_start3A_109] : memref<16x32x32x512xf32, #tpu.memory_space<hbm>> -> memref<1x1x32x512xf32, #tpu.memory_space<hbm>>
    %dma_start3A_111 = tpu.memref_squeeze %dma_start3A_110 : memref<1x1x32x512xf32, #tpu.memory_space<hbm>> -> memref<32x512xf32, #tpu.memory_space<hbm>>
    %dma_start3A_112 = arith.constant 0 : i32
    %dma_start3A_113 = arith.constant 0 : i32
    %dma_start3A_114 = tpu.memref_slice %arg4[%dma_start3A_107, %add3A, %dma_start3A_112, %dma_start3A_113] : memref<16x32x32x512xf32, #tpu.memory_space<hbm>> -> memref<1x1x32x512xf32, #tpu.memory_space<hbm>>
    %dma_start3A_115 = tpu.memref_squeeze %dma_start3A_114 : memref<1x1x32x512xf32, #tpu.memory_space<hbm>> -> memref<32x512xf32, #tpu.memory_space<hbm>>
    tpu.enqueue_dma source(%arg5 : memref<32x512xf32, #tpu.memory_space<vmem>>) target(%dma_start3A_115 : memref<32x512xf32, #tpu.memory_space<hbm>>) target_semaphore(%arg7 : memref<!tpu.dma_semaphore, #tpu.memory_space<semaphore_mem>>)
    %dma_start3A_116 = arith.constant 5 : i32
    %dma_start3A_117 = arith.constant 0 : i32
    %dma_start3A_118 = arith.constant 0 : i32
    %dma_start3A_119 = tpu.memref_slice %arg4[%dma_start3A_116, %add3A, %dma_start3A_117, %dma_start3A_118] : memref<16x32x32x512xf32, #tpu.memory_space<hbm>> -> memref<1x1x32x512xf32, #tpu.memory_space<hbm>>
    %dma_start3A_120 = tpu.memref_squeeze %dma_start3A_119 : memref<1x1x32x512xf32, #tpu.memory_space<hbm>> -> memref<32x512xf32, #tpu.memory_space<hbm>>
    %dma_start3A_121 = arith.constant 0 : i32
    %dma_start3A_122 = arith.constant 0 : i32
    %dma_start3A_123 = tpu.memref_slice %arg4[%dma_start3A_116, %add3A, %dma_start3A_121, %dma_start3A_122] : memref<16x32x32x512xf32, #tpu.memory_space<hbm>> -> memref<1x1x32x512xf32, #tpu.memory_space<hbm>>
    %dma_start3A_124 = tpu.memref_squeeze %dma_start3A_123 : memref<1x1x32x512xf32, #tpu.memory_space<hbm>> -> memref<32x512xf32, #tpu.memory_space<hbm>>
    tpu.enqueue_dma source(%arg5 : memref<32x512xf32, #tpu.memory_space<vmem>>) target(%dma_start3A_124 : memref<32x512xf32, #tpu.memory_space<hbm>>) target_semaphore(%arg7 : memref<!tpu.dma_semaphore, #tpu.memory_space<semaphore_mem>>)
    %dma_start3A_125 = arith.constant 6 : i32
    %dma_start3A_126 = arith.constant 0 : i32
    %dma_start3A_127 = arith.constant 0 : i32
    %dma_start3A_128 = tpu.memref_slice %arg4[%dma_start3A_125, %add3A, %dma_start3A_126, %dma_start3A_127] : memref<16x32x32x512xf32, #tpu.memory_space<hbm>> -> memref<1x1x32x512xf32, #tpu.memory_space<hbm>>
    %dma_start3A_129 = tpu.memref_squeeze %dma_start3A_128 : memref<1x1x32x512xf32, #tpu.memory_space<hbm>> -> memref<32x512xf32, #tpu.memory_space<hbm>>
    %dma_start3A_130 = arith.constant 0 : i32
    %dma_start3A_131 = arith.constant 0 : i32
    %dma_start3A_132 = tpu.memref_slice %arg4[%dma_start3A_125, %add3A, %dma_start3A_130, %dma_start3A_131] : memref<16x32x32x512xf32, #tpu.memory_space<hbm>> -> memref<1x1x32x512xf32, #tpu.memory_space<hbm>>
    %dma_start3A_133 = tpu.memref_squeeze %dma_start3A_132 : memref<1x1x32x512xf32, #tpu.memory_space<hbm>> -> memref<32x512xf32, #tpu.memory_space<hbm>>
    tpu.enqueue_dma source(%arg5 : memref<32x512xf32, #tpu.memory_space<vmem>>) target(%dma_start3A_133 : memref<32x512xf32, #tpu.memory_space<hbm>>) target_semaphore(%arg7 : memref<!tpu.dma_semaphore, #tpu.memory_space<semaphore_mem>>)
    %dma_start3A_134 = arith.constant 7 : i32
    %dma_start3A_135 = arith.constant 0 : i32
    %dma_start3A_136 = arith.constant 0 : i32
    %dma_start3A_137 = tpu.memref_slice %arg4[%dma_start3A_134, %add3A, %dma_start3A_135, %dma_start3A_136] : memref<16x32x32x512xf32, #tpu.memory_space<hbm>> -> memref<1x1x32x512xf32, #tpu.memory_space<hbm>>
    %dma_start3A_138 = tpu.memref_squeeze %dma_start3A_137 : memref<1x1x32x512xf32, #tpu.memory_space<hbm>> -> memref<32x512xf32, #tpu.memory_space<hbm>>
    %dma_start3A_139 = arith.constant 0 : i32
    %dma_start3A_140 = arith.constant 0 : i32
    %dma_start3A_141 = tpu.memref_slice %arg4[%dma_start3A_134, %add3A, %dma_start3A_139, %dma_start3A_140] : memref<16x32x32x512xf32, #tpu.memory_space<hbm>> -> memref<1x1x32x512xf32, #tpu.memory_space<hbm>>
    %dma_start3A_142 = tpu.memref_squeeze %dma_start3A_141 : memref<1x1x32x512xf32, #tpu.memory_space<hbm>> -> memref<32x512xf32, #tpu.memory_space<hbm>>
    tpu.enqueue_dma source(%arg5 : memref<32x512xf32, #tpu.memory_space<vmem>>) target(%dma_start3A_142 : memref<32x512xf32, #tpu.memory_space<hbm>>) target_semaphore(%arg7 : memref<!tpu.dma_semaphore, #tpu.memory_space<semaphore_mem>>)
    %dma_start3A_143 = arith.constant 8 : i32
    %dma_start3A_144 = arith.constant 0 : i32
    %dma_start3A_145 = arith.constant 0 : i32
    %dma_start3A_146 = tpu.memref_slice %arg4[%dma_start3A_143, %add3A, %dma_start3A_144, %dma_start3A_145] : memref<16x32x32x512xf32, #tpu.memory_space<hbm>> -> memref<1x1x32x512xf32, #tpu.memory_space<hbm>>
    %dma_start3A_147 = tpu.memref_squeeze %dma_start3A_146 : memref<1x1x32x512xf32, #tpu.memory_space<hbm>> -> memref<32x512xf32, #tpu.memory_space<hbm>>
    %dma_start3A_148 = arith.constant 0 : i32
    %dma_start3A_149 = arith.constant 0 : i32
    %dma_start3A_150 = tpu.memref_slice %arg4[%dma_start3A_143, %add3A, %dma_start3A_148, %dma_start3A_149] : memref<16x32x32x512xf32, #tpu.memory_space<hbm>> -> memref<1x1x32x512xf32, #tpu.memory_space<hbm>>
    %dma_start3A_151 = tpu.memref_squeeze %dma_start3A_150 : memref<1x1x32x512xf32, #tpu.memory_space<hbm>> -> memref<32x512xf32, #tpu.memory_space<hbm>>
    tpu.enqueue_dma source(%arg5 : memref<32x512xf32, #tpu.memory_space<vmem>>) target(%dma_start3A_151 : memref<32x512xf32, #tpu.memory_space<hbm>>) target_semaphore(%arg7 : memref<!tpu.dma_semaphore, #tpu.memory_space<semaphore_mem>>)
    %dma_start3A_152 = arith.constant 9 : i32
    %dma_start3A_153 = arith.constant 0 : i32
    %dma_start3A_154 = arith.constant 0 : i32
    %dma_start3A_155 = tpu.memref_slice %arg4[%dma_start3A_152, %add3A, %dma_start3A_153, %dma_start3A_154] : memref<16x32x32x512xf32, #tpu.memory_space<hbm>> -> memref<1x1x32x512xf32, #tpu.memory_space<hbm>>
    %dma_start3A_156 = tpu.memref_squeeze %dma_start3A_155 : memref<1x1x32x512xf32, #tpu.memory_space<hbm>> -> memref<32x512xf32, #tpu.memory_space<hbm>>
    %dma_start3A_157 = arith.constant 0 : i32
    %dma_start3A_158 = arith.constant 0 : i32
    %dma_start3A_159 = tpu.memref_slice %arg4[%dma_start3A_152, %add3A, %dma_start3A_157, %dma_start3A_158] : memref<16x32x32x512xf32, #tpu.memory_space<hbm>> -> memref<1x1x32x512xf32, #tpu.memory_space<hbm>>
    %dma_start3A_160 = tpu.memref_squeeze %dma_start3A_159 : memref<1x1x32x512xf32, #tpu.memory_space<hbm>> -> memref<32x512xf32, #tpu.memory_space<hbm>>
    tpu.enqueue_dma source(%arg5 : memref<32x512xf32, #tpu.memory_space<vmem>>) target(%dma_start3A_160 : memref<32x512xf32, #tpu.memory_space<hbm>>) target_semaphore(%arg7 : memref<!tpu.dma_semaphore, #tpu.memory_space<semaphore_mem>>)
    %dma_start3A_161 = arith.constant 10 : i32
    %dma_start3A_162 = arith.constant 0 : i32
    %dma_start3A_163 = arith.constant 0 : i32
    %dma_start3A_164 = tpu.memref_slice %arg4[%dma_start3A_161, %add3A, %dma_start3A_162, %dma_start3A_163] : memref<16x32x32x512xf32, #tpu.memory_space<hbm>> -> memref<1x1x32x512xf32, #tpu.memory_space<hbm>>
    %dma_start3A_165 = tpu.memref_squeeze %dma_start3A_164 : memref<1x1x32x512xf32, #tpu.memory_space<hbm>> -> memref<32x512xf32, #tpu.memory_space<hbm>>
    %dma_start3A_166 = arith.constant 0 : i32
    %dma_start3A_167 = arith.constant 0 : i32
    %dma_start3A_168 = tpu.memref_slice %arg4[%dma_start3A_161, %add3A, %dma_start3A_166, %dma_start3A_167] : memref<16x32x32x512xf32, #tpu.memory_space<hbm>> -> memref<1x1x32x512xf32, #tpu.memory_space<hbm>>
    %dma_start3A_169 = tpu.memref_squeeze %dma_start3A_168 : memref<1x1x32x512xf32, #tpu.memory_space<hbm>> -> memref<32x512xf32, #tpu.memory_space<hbm>>
    tpu.enqueue_dma source(%arg5 : memref<32x512xf32, #tpu.memory_space<vmem>>) target(%dma_start3A_169 : memref<32x512xf32, #tpu.memory_space<hbm>>) target_semaphore(%arg7 : memref<!tpu.dma_semaphore, #tpu.memory_space<semaphore_mem>>)
    %dma_start3A_170 = arith.constant 11 : i32
    %dma_start3A_171 = arith.constant 0 : i32
    %dma_start3A_172 = arith.constant 0 : i32
    %dma_start3A_173 = tpu.memref_slice %arg4[%dma_start3A_170, %add3A, %dma_start3A_171, %dma_start3A_172] : memref<16x32x32x512xf32, #tpu.memory_space<hbm>> -> memref<1x1x32x512xf32, #tpu.memory_space<hbm>>
    %dma_start3A_174 = tpu.memref_squeeze %dma_start3A_173 : memref<1x1x32x512xf32, #tpu.memory_space<hbm>> -> memref<32x512xf32, #tpu.memory_space<hbm>>
    %dma_start3A_175 = arith.constant 0 : i32
    %dma_start3A_176 = arith.constant 0 : i32
    %dma_start3A_177 = tpu.memref_slice %arg4[%dma_start3A_170, %add3A, %dma_start3A_175, %dma_start3A_176] : memref<16x32x32x512xf32, #tpu.memory_space<hbm>> -> memref<1x1x32x512xf32, #tpu.memory_space<hbm>>
    %dma_start3A_178 = tpu.memref_squeeze %dma_start3A_177 : memref<1x1x32x512xf32, #tpu.memory_space<hbm>> -> memref<32x512xf32, #tpu.memory_space<hbm>>
    tpu.enqueue_dma source(%arg5 : memref<32x512xf32, #tpu.memory_space<vmem>>) target(%dma_start3A_178 : memref<32x512xf32, #tpu.memory_space<hbm>>) target_semaphore(%arg7 : memref<!tpu.dma_semaphore, #tpu.memory_space<semaphore_mem>>)
    %dma_start3A_179 = arith.constant 12 : i32
    %dma_start3A_180 = arith.constant 0 : i32
    %dma_start3A_181 = arith.constant 0 : i32
    %dma_start3A_182 = tpu.memref_slice %arg4[%dma_start3A_179, %add3A, %dma_start3A_180, %dma_start3A_181] : memref<16x32x32x512xf32, #tpu.memory_space<hbm>> -> memref<1x1x32x512xf32, #tpu.memory_space<hbm>>
    %dma_start3A_183 = tpu.memref_squeeze %dma_start3A_182 : memref<1x1x32x512xf32, #tpu.memory_space<hbm>> -> memref<32x512xf32, #tpu.memory_space<hbm>>
    %dma_start3A_184 = arith.constant 0 : i32
    %dma_start3A_185 = arith.constant 0 : i32
    %dma_start3A_186 = tpu.memref_slice %arg4[%dma_start3A_179, %add3A, %dma_start3A_184, %dma_start3A_185] : memref<16x32x32x512xf32, #tpu.memory_space<hbm>> -> memref<1x1x32x512xf32, #tpu.memory_space<hbm>>
    %dma_start3A_187 = tpu.memref_squeeze %dma_start3A_186 : memref<1x1x32x512xf32, #tpu.memory_space<hbm>> -> memref<32x512xf32, #tpu.memory_space<hbm>>
    tpu.enqueue_dma source(%arg5 : memref<32x512xf32, #tpu.memory_space<vmem>>) target(%dma_start3A_187 : memref<32x512xf32, #tpu.memory_space<hbm>>) target_semaphore(%arg7 : memref<!tpu.dma_semaphore, #tpu.memory_space<semaphore_mem>>)
    %dma_start3A_188 = arith.constant 13 : i32
    %dma_start3A_189 = arith.constant 0 : i32
    %dma_start3A_190 = arith.constant 0 : i32
    %dma_start3A_191 = tpu.memref_slice %arg4[%dma_start3A_188, %add3A, %dma_start3A_189, %dma_start3A_190] : memref<16x32x32x512xf32, #tpu.memory_space<hbm>> -> memref<1x1x32x512xf32, #tpu.memory_space<hbm>>
    %dma_start3A_192 = tpu.memref_squeeze %dma_start3A_191 : memref<1x1x32x512xf32, #tpu.memory_space<hbm>> -> memref<32x512xf32, #tpu.memory_space<hbm>>
    %dma_start3A_193 = arith.constant 0 : i32
    %dma_start3A_194 = arith.constant 0 : i32
    %dma_start3A_195 = tpu.memref_slice %arg4[%dma_start3A_188, %add3A, %dma_start3A_193, %dma_start3A_194] : memref<16x32x32x512xf32, #tpu.memory_space<hbm>> -> memref<1x1x32x512xf32, #tpu.memory_space<hbm>>
    %dma_start3A_196 = tpu.memref_squeeze %dma_start3A_195 : memref<1x1x32x512xf32, #tpu.memory_space<hbm>> -> memref<32x512xf32, #tpu.memory_space<hbm>>
    tpu.enqueue_dma source(%arg5 : memref<32x512xf32, #tpu.memory_space<vmem>>) target(%dma_start3A_196 : memref<32x512xf32, #tpu.memory_space<hbm>>) target_semaphore(%arg7 : memref<!tpu.dma_semaphore, #tpu.memory_space<semaphore_mem>>)
    %dma_start3A_197 = arith.constant 14 : i32
    %dma_start3A_198 = arith.constant 0 : i32
    %dma_start3A_199 = arith.constant 0 : i32
    %dma_start3A_200 = tpu.memref_slice %arg4[%dma_start3A_197, %add3A, %dma_start3A_198, %dma_start3A_199] : memref<16x32x32x512xf32, #tpu.memory_space<hbm>> -> memref<1x1x32x512xf32, #tpu.memory_space<hbm>>
    %dma_start3A_201 = tpu.memref_squeeze %dma_start3A_200 : memref<1x1x32x512xf32, #tpu.memory_space<hbm>> -> memref<32x512xf32, #tpu.memory_space<hbm>>
    %dma_start3A_202 = arith.constant 0 : i32
    %dma_start3A_203 = arith.constant 0 : i32
    %dma_start3A_204 = tpu.memref_slice %arg4[%dma_start3A_197, %add3A, %dma_start3A_202, %dma_start3A_203] : memref<16x32x32x512xf32, #tpu.memory_space<hbm>> -> memref<1x1x32x512xf32, #tpu.memory_space<hbm>>
    %dma_start3A_205 = tpu.memref_squeeze %dma_start3A_204 : memref<1x1x32x512xf32, #tpu.memory_space<hbm>> -> memref<32x512xf32, #tpu.memory_space<hbm>>
    tpu.enqueue_dma source(%arg5 : memref<32x512xf32, #tpu.memory_space<vmem>>) target(%dma_start3A_205 : memref<32x512xf32, #tpu.memory_space<hbm>>) target_semaphore(%arg7 : memref<!tpu.dma_semaphore, #tpu.memory_space<semaphore_mem>>)
    %dma_start3A_206 = arith.constant 15 : i32
    %dma_start3A_207 = arith.constant 0 : i32
    %dma_start3A_208 = arith.constant 0 : i32
    %dma_start3A_209 = tpu.memref_slice %arg4[%dma_start3A_206, %add3A, %dma_start3A_207, %dma_start3A_208] : memref<16x32x32x512xf32, #tpu.memory_space<hbm>> -> memref<1x1x32x512xf32, #tpu.memory_space<hbm>>
    %dma_start3A_210 = tpu.memref_squeeze %dma_start3A_209 : memref<1x1x32x512xf32, #tpu.memory_space<hbm>> -> memref<32x512xf32, #tpu.memory_space<hbm>>
    %dma_start3A_211 = arith.constant 0 : i32
    %dma_start3A_212 = arith.constant 0 : i32
    %dma_start3A_213 = tpu.memref_slice %arg4[%dma_start3A_206, %add3A, %dma_start3A_211, %dma_start3A_212] : memref<16x32x32x512xf32, #tpu.memory_space<hbm>> -> memref<1x1x32x512xf32, #tpu.memory_space<hbm>>
    %dma_start3A_214 = tpu.memref_squeeze %dma_start3A_213 : memref<1x1x32x512xf32, #tpu.memory_space<hbm>> -> memref<32x512xf32, #tpu.memory_space<hbm>>
    tpu.enqueue_dma source(%arg5 : memref<32x512xf32, #tpu.memory_space<vmem>>) target(%dma_start3A_214 : memref<32x512xf32, #tpu.memory_space<hbm>>) target_semaphore(%arg7 : memref<!tpu.dma_semaphore, #tpu.memory_space<semaphore_mem>>)
    %dma_wait3A = arith.constant 0 : i32
    %dma_wait3A_215 = arith.constant 0 : i32
    %dma_wait3A_216 = arith.constant 0 : i32
    %dma_wait3A_217 = tpu.memref_slice %arg4[%dma_wait3A, %add3A, %dma_wait3A_215, %dma_wait3A_216] : memref<16x32x32x512xf32, #tpu.memory_space<hbm>> -> memref<1x1x32x512xf32, #tpu.memory_space<hbm>>
    %dma_wait3A_218 = tpu.memref_squeeze %dma_wait3A_217 : memref<1x1x32x512xf32, #tpu.memory_space<hbm>> -> memref<32x512xf32, #tpu.memory_space<hbm>>
    %dma_wait3A_219 = arith.constant 0 : i32
    %dma_wait3A_220 = arith.constant 0 : i32
    %dma_wait3A_221 = tpu.memref_slice %arg4[%dma_wait3A, %add3A, %dma_wait3A_219, %dma_wait3A_220] : memref<16x32x32x512xf32, #tpu.memory_space<hbm>> -> memref<1x1x32x512xf32, #tpu.memory_space<hbm>>
    %dma_wait3A_222 = tpu.memref_squeeze %dma_wait3A_221 : memref<1x1x32x512xf32, #tpu.memory_space<hbm>> -> memref<32x512xf32, #tpu.memory_space<hbm>>
    tpu.wait_dma2 semaphore(%arg7 : memref<!tpu.dma_semaphore, #tpu.memory_space<semaphore_mem>>) src(%arg5 : memref<32x512xf32, #tpu.memory_space<vmem>>) dst(%dma_wait3A_222 : memref<32x512xf32, #tpu.memory_space<hbm>>)
    %dma_wait3A_223 = arith.constant 1 : i32
    %dma_wait3A_224 = arith.constant 0 : i32
    %dma_wait3A_225 = arith.constant 0 : i32
    %dma_wait3A_226 = tpu.memref_slice %arg4[%dma_wait3A_223, %add3A, %dma_wait3A_224, %dma_wait3A_225] : memref<16x32x32x512xf32, #tpu.memory_space<hbm>> -> memref<1x1x32x512xf32, #tpu.memory_space<hbm>>
    %dma_wait3A_227 = tpu.memref_squeeze %dma_wait3A_226 : memref<1x1x32x512xf32, #tpu.memory_space<hbm>> -> memref<32x512xf32, #tpu.memory_space<hbm>>
    %dma_wait3A_228 = arith.constant 0 : i32
    %dma_wait3A_229 = arith.constant 0 : i32
    %dma_wait3A_230 = tpu.memref_slice %arg4[%dma_wait3A_223, %add3A, %dma_wait3A_228, %dma_wait3A_229] : memref<16x32x32x512xf32, #tpu.memory_space<hbm>> -> memref<1x1x32x512xf32, #tpu.memory_space<hbm>>
    %dma_wait3A_231 = tpu.memref_squeeze %dma_wait3A_230 : memref<1x1x32x512xf32, #tpu.memory_space<hbm>> -> memref<32x512xf32, #tpu.memory_space<hbm>>
    tpu.wait_dma2 semaphore(%arg7 : memref<!tpu.dma_semaphore, #tpu.memory_space<semaphore_mem>>) src(%arg5 : memref<32x512xf32, #tpu.memory_space<vmem>>) dst(%dma_wait3A_231 : memref<32x512xf32, #tpu.memory_space<hbm>>)
    %dma_wait3A_232 = arith.constant 2 : i32
    %dma_wait3A_233 = arith.constant 0 : i32
    %dma_wait3A_234 = arith.constant 0 : i32
    %dma_wait3A_235 = tpu.memref_slice %arg4[%dma_wait3A_232, %add3A, %dma_wait3A_233, %dma_wait3A_234] : memref<16x32x32x512xf32, #tpu.memory_space<hbm>> -> memref<1x1x32x512xf32, #tpu.memory_space<hbm>>
    %dma_wait3A_236 = tpu.memref_squeeze %dma_wait3A_235 : memref<1x1x32x512xf32, #tpu.memory_space<hbm>> -> memref<32x512xf32, #tpu.memory_space<hbm>>
    %dma_wait3A_237 = arith.constant 0 : i32
    %dma_wait3A_238 = arith.constant 0 : i32
    %dma_wait3A_239 = tpu.memref_slice %arg4[%dma_wait3A_232, %add3A, %dma_wait3A_237, %dma_wait3A_238] : memref<16x32x32x512xf32, #tpu.memory_space<hbm>> -> memref<1x1x32x512xf32, #tpu.memory_space<hbm>>
    %dma_wait3A_240 = tpu.memref_squeeze %dma_wait3A_239 : memref<1x1x32x512xf32, #tpu.memory_space<hbm>> -> memref<32x512xf32, #tpu.memory_space<hbm>>
    tpu.wait_dma2 semaphore(%arg7 : memref<!tpu.dma_semaphore, #tpu.memory_space<semaphore_mem>>) src(%arg5 : memref<32x512xf32, #tpu.memory_space<vmem>>) dst(%dma_wait3A_240 : memref<32x512xf32, #tpu.memory_space<hbm>>)
    %dma_wait3A_241 = arith.constant 3 : i32
    %dma_wait3A_242 = arith.constant 0 : i32
    %dma_wait3A_243 = arith.constant 0 : i32
    %dma_wait3A_244 = tpu.memref_slice %arg4[%dma_wait3A_241, %add3A, %dma_wait3A_242, %dma_wait3A_243] : memref<16x32x32x512xf32, #tpu.memory_space<hbm>> -> memref<1x1x32x512xf32, #tpu.memory_space<hbm>>
    %dma_wait3A_245 = tpu.memref_squeeze %dma_wait3A_244 : memref<1x1x32x512xf32, #tpu.memory_space<hbm>> -> memref<32x512xf32, #tpu.memory_space<hbm>>
    %dma_wait3A_246 = arith.constant 0 : i32
    %dma_wait3A_247 = arith.constant 0 : i32
    %dma_wait3A_248 = tpu.memref_slice %arg4[%dma_wait3A_241, %add3A, %dma_wait3A_246, %dma_wait3A_247] : memref<16x32x32x512xf32, #tpu.memory_space<hbm>> -> memref<1x1x32x512xf32, #tpu.memory_space<hbm>>
    %dma_wait3A_249 = tpu.memref_squeeze %dma_wait3A_248 : memref<1x1x32x512xf32, #tpu.memory_space<hbm>> -> memref<32x512xf32, #tpu.memory_space<hbm>>
    tpu.wait_dma2 semaphore(%arg7 : memref<!tpu.dma_semaphore, #tpu.memory_space<semaphore_mem>>) src(%arg5 : memref<32x512xf32, #tpu.memory_space<vmem>>) dst(%dma_wait3A_249 : memref<32x512xf32, #tpu.memory_space<hbm>>)
    %dma_wait3A_250 = arith.constant 4 : i32
    %dma_wait3A_251 = arith.constant 0 : i32
    %dma_wait3A_252 = arith.constant 0 : i32
    %dma_wait3A_253 = tpu.memref_slice %arg4[%dma_wait3A_250, %add3A, %dma_wait3A_251, %dma_wait3A_252] : memref<16x32x32x512xf32, #tpu.memory_space<hbm>> -> memref<1x1x32x512xf32, #tpu.memory_space<hbm>>
    %dma_wait3A_254 = tpu.memref_squeeze %dma_wait3A_253 : memref<1x1x32x512xf32, #tpu.memory_space<hbm>> -> memref<32x512xf32, #tpu.memory_space<hbm>>
    %dma_wait3A_255 = arith.constant 0 : i32
    %dma_wait3A_256 = arith.constant 0 : i32
    %dma_wait3A_257 = tpu.memref_slice %arg4[%dma_wait3A_250, %add3A, %dma_wait3A_255, %dma_wait3A_256] : memref<16x32x32x512xf32, #tpu.memory_space<hbm>> -> memref<1x1x32x512xf32, #tpu.memory_space<hbm>>
    %dma_wait3A_258 = tpu.memref_squeeze %dma_wait3A_257 : memref<1x1x32x512xf32, #tpu.memory_space<hbm>> -> memref<32x512xf32, #tpu.memory_space<hbm>>
    tpu.wait_dma2 semaphore(%arg7 : memref<!tpu.dma_semaphore, #tpu.memory_space<semaphore_mem>>) src(%arg5 : memref<32x512xf32, #tpu.memory_space<vmem>>) dst(%dma_wait3A_258 : memref<32x512xf32, #tpu.memory_space<hbm>>)
    %dma_wait3A_259 = arith.constant 5 : i32
    %dma_wait3A_260 = arith.constant 0 : i32
    %dma_wait3A_261 = arith.constant 0 : i32
    %dma_wait3A_262 = tpu.memref_slice %arg4[%dma_wait3A_259, %add3A, %dma_wait3A_260, %dma_wait3A_261] : memref<16x32x32x512xf32, #tpu.memory_space<hbm>> -> memref<1x1x32x512xf32, #tpu.memory_space<hbm>>
    %dma_wait3A_263 = tpu.memref_squeeze %dma_wait3A_262 : memref<1x1x32x512xf32, #tpu.memory_space<hbm>> -> memref<32x512xf32, #tpu.memory_space<hbm>>
    %dma_wait3A_264 = arith.constant 0 : i32
    %dma_wait3A_265 = arith.constant 0 : i32
    %dma_wait3A_266 = tpu.memref_slice %arg4[%dma_wait3A_259, %add3A, %dma_wait3A_264, %dma_wait3A_265] : memref<16x32x32x512xf32, #tpu.memory_space<hbm>> -> memref<1x1x32x512xf32, #tpu.memory_space<hbm>>
    %dma_wait3A_267 = tpu.memref_squeeze %dma_wait3A_266 : memref<1x1x32x512xf32, #tpu.memory_space<hbm>> -> memref<32x512xf32, #tpu.memory_space<hbm>>
    tpu.wait_dma2 semaphore(%arg7 : memref<!tpu.dma_semaphore, #tpu.memory_space<semaphore_mem>>) src(%arg5 : memref<32x512xf32, #tpu.memory_space<vmem>>) dst(%dma_wait3A_267 : memref<32x512xf32, #tpu.memory_space<hbm>>)
    %dma_wait3A_268 = arith.constant 6 : i32
    %dma_wait3A_269 = arith.constant 0 : i32
    %dma_wait3A_270 = arith.constant 0 : i32
    %dma_wait3A_271 = tpu.memref_slice %arg4[%dma_wait3A_268, %add3A, %dma_wait3A_269, %dma_wait3A_270] : memref<16x32x32x512xf32, #tpu.memory_space<hbm>> -> memref<1x1x32x512xf32, #tpu.memory_space<hbm>>
    %dma_wait3A_272 = tpu.memref_squeeze %dma_wait3A_271 : memref<1x1x32x512xf32, #tpu.memory_space<hbm>> -> memref<32x512xf32, #tpu.memory_space<hbm>>
    %dma_wait3A_273 = arith.constant 0 : i32
    %dma_wait3A_274 = arith.constant 0 : i32
    %dma_wait3A_275 = tpu.memref_slice %arg4[%dma_wait3A_268, %add3A, %dma_wait3A_273, %dma_wait3A_274] : memref<16x32x32x512xf32, #tpu.memory_space<hbm>> -> memref<1x1x32x512xf32, #tpu.memory_space<hbm>>
    %dma_wait3A_276 = tpu.memref_squeeze %dma_wait3A_275 : memref<1x1x32x512xf32, #tpu.memory_space<hbm>> -> memref<32x512xf32, #tpu.memory_space<hbm>>
    tpu.wait_dma2 semaphore(%arg7 : memref<!tpu.dma_semaphore, #tpu.memory_space<semaphore_mem>>) src(%arg5 : memref<32x512xf32, #tpu.memory_space<vmem>>) dst(%dma_wait3A_276 : memref<32x512xf32, #tpu.memory_space<hbm>>)
    %dma_wait3A_277 = arith.constant 7 : i32
    %dma_wait3A_278 = arith.constant 0 : i32
    %dma_wait3A_279 = arith.constant 0 : i32
    %dma_wait3A_280 = tpu.memref_slice %arg4[%dma_wait3A_277, %add3A, %dma_wait3A_278, %dma_wait3A_279] : memref<16x32x32x512xf32, #tpu.memory_space<hbm>> -> memref<1x1x32x512xf32, #tpu.memory_space<hbm>>
    %dma_wait3A_281 = tpu.memref_squeeze %dma_wait3A_280 : memref<1x1x32x512xf32, #tpu.memory_space<hbm>> -> memref<32x512xf32, #tpu.memory_space<hbm>>
    %dma_wait3A_282 = arith.constant 0 : i32
    %dma_wait3A_283 = arith.constant 0 : i32
    %dma_wait3A_284 = tpu.memref_slice %arg4[%dma_wait3A_277, %add3A, %dma_wait3A_282, %dma_wait3A_283] : memref<16x32x32x512xf32, #tpu.memory_space<hbm>> -> memref<1x1x32x512xf32, #tpu.memory_space<hbm>>
    %dma_wait3A_285 = tpu.memref_squeeze %dma_wait3A_284 : memref<1x1x32x512xf32, #tpu.memory_space<hbm>> -> memref<32x512xf32, #tpu.memory_space<hbm>>
    tpu.wait_dma2 semaphore(%arg7 : memref<!tpu.dma_semaphore, #tpu.memory_space<semaphore_mem>>) src(%arg5 : memref<32x512xf32, #tpu.memory_space<vmem>>) dst(%dma_wait3A_285 : memref<32x512xf32, #tpu.memory_space<hbm>>)
    %dma_wait3A_286 = arith.constant 8 : i32
    %dma_wait3A_287 = arith.constant 0 : i32
    %dma_wait3A_288 = arith.constant 0 : i32
    %dma_wait3A_289 = tpu.memref_slice %arg4[%dma_wait3A_286, %add3A, %dma_wait3A_287, %dma_wait3A_288] : memref<16x32x32x512xf32, #tpu.memory_space<hbm>> -> memref<1x1x32x512xf32, #tpu.memory_space<hbm>>
    %dma_wait3A_290 = tpu.memref_squeeze %dma_wait3A_289 : memref<1x1x32x512xf32, #tpu.memory_space<hbm>> -> memref<32x512xf32, #tpu.memory_space<hbm>>
    %dma_wait3A_291 = arith.constant 0 : i32
    %dma_wait3A_292 = arith.constant 0 : i32
    %dma_wait3A_293 = tpu.memref_slice %arg4[%dma_wait3A_286, %add3A, %dma_wait3A_291, %dma_wait3A_292] : memref<16x32x32x512xf32, #tpu.memory_space<hbm>> -> memref<1x1x32x512xf32, #tpu.memory_space<hbm>>
    %dma_wait3A_294 = tpu.memref_squeeze %dma_wait3A_293 : memref<1x1x32x512xf32, #tpu.memory_space<hbm>> -> memref<32x512xf32, #tpu.memory_space<hbm>>
    tpu.wait_dma2 semaphore(%arg7 : memref<!tpu.dma_semaphore, #tpu.memory_space<semaphore_mem>>) src(%arg5 : memref<32x512xf32, #tpu.memory_space<vmem>>) dst(%dma_wait3A_294 : memref<32x512xf32, #tpu.memory_space<hbm>>)
    %dma_wait3A_295 = arith.constant 9 : i32
    %dma_wait3A_296 = arith.constant 0 : i32
    %dma_wait3A_297 = arith.constant 0 : i32
    %dma_wait3A_298 = tpu.memref_slice %arg4[%dma_wait3A_295, %add3A, %dma_wait3A_296, %dma_wait3A_297] : memref<16x32x32x512xf32, #tpu.memory_space<hbm>> -> memref<1x1x32x512xf32, #tpu.memory_space<hbm>>
    %dma_wait3A_299 = tpu.memref_squeeze %dma_wait3A_298 : memref<1x1x32x512xf32, #tpu.memory_space<hbm>> -> memref<32x512xf32, #tpu.memory_space<hbm>>
    %dma_wait3A_300 = arith.constant 0 : i32
    %dma_wait3A_301 = arith.constant 0 : i32
    %dma_wait3A_302 = tpu.memref_slice %arg4[%dma_wait3A_295, %add3A, %dma_wait3A_300, %dma_wait3A_301] : memref<16x32x32x512xf32, #tpu.memory_space<hbm>> -> memref<1x1x32x512xf32, #tpu.memory_space<hbm>>
    %dma_wait3A_303 = tpu.memref_squeeze %dma_wait3A_302 : memref<1x1x32x512xf32, #tpu.memory_space<hbm>> -> memref<32x512xf32, #tpu.memory_space<hbm>>
    tpu.wait_dma2 semaphore(%arg7 : memref<!tpu.dma_semaphore, #tpu.memory_space<semaphore_mem>>) src(%arg5 : memref<32x512xf32, #tpu.memory_space<vmem>>) dst(%dma_wait3A_303 : memref<32x512xf32, #tpu.memory_space<hbm>>)
    %dma_wait3A_304 = arith.constant 10 : i32
    %dma_wait3A_305 = arith.constant 0 : i32
    %dma_wait3A_306 = arith.constant 0 : i32
    %dma_wait3A_307 = tpu.memref_slice %arg4[%dma_wait3A_304, %add3A, %dma_wait3A_305, %dma_wait3A_306] : memref<16x32x32x512xf32, #tpu.memory_space<hbm>> -> memref<1x1x32x512xf32, #tpu.memory_space<hbm>>
    %dma_wait3A_308 = tpu.memref_squeeze %dma_wait3A_307 : memref<1x1x32x512xf32, #tpu.memory_space<hbm>> -> memref<32x512xf32, #tpu.memory_space<hbm>>
    %dma_wait3A_309 = arith.constant 0 : i32
    %dma_wait3A_310 = arith.constant 0 : i32
    %dma_wait3A_311 = tpu.memref_slice %arg4[%dma_wait3A_304, %add3A, %dma_wait3A_309, %dma_wait3A_310] : memref<16x32x32x512xf32, #tpu.memory_space<hbm>> -> memref<1x1x32x512xf32, #tpu.memory_space<hbm>>
    %dma_wait3A_312 = tpu.memref_squeeze %dma_wait3A_311 : memref<1x1x32x512xf32, #tpu.memory_space<hbm>> -> memref<32x512xf32, #tpu.memory_space<hbm>>
    tpu.wait_dma2 semaphore(%arg7 : memref<!tpu.dma_semaphore, #tpu.memory_space<semaphore_mem>>) src(%arg5 : memref<32x512xf32, #tpu.memory_space<vmem>>) dst(%dma_wait3A_312 : memref<32x512xf32, #tpu.memory_space<hbm>>)
    %dma_wait3A_313 = arith.constant 11 : i32
    %dma_wait3A_314 = arith.constant 0 : i32
    %dma_wait3A_315 = arith.constant 0 : i32
    %dma_wait3A_316 = tpu.memref_slice %arg4[%dma_wait3A_313, %add3A, %dma_wait3A_314, %dma_wait3A_315] : memref<16x32x32x512xf32, #tpu.memory_space<hbm>> -> memref<1x1x32x512xf32, #tpu.memory_space<hbm>>
    %dma_wait3A_317 = tpu.memref_squeeze %dma_wait3A_316 : memref<1x1x32x512xf32, #tpu.memory_space<hbm>> -> memref<32x512xf32, #tpu.memory_space<hbm>>
    %dma_wait3A_318 = arith.constant 0 : i32
    %dma_wait3A_319 = arith.constant 0 : i32
    %dma_wait3A_320 = tpu.memref_slice %arg4[%dma_wait3A_313, %add3A, %dma_wait3A_318, %dma_wait3A_319] : memref<16x32x32x512xf32, #tpu.memory_space<hbm>> -> memref<1x1x32x512xf32, #tpu.memory_space<hbm>>
    %dma_wait3A_321 = tpu.memref_squeeze %dma_wait3A_320 : memref<1x1x32x512xf32, #tpu.memory_space<hbm>> -> memref<32x512xf32, #tpu.memory_space<hbm>>
    tpu.wait_dma2 semaphore(%arg7 : memref<!tpu.dma_semaphore, #tpu.memory_space<semaphore_mem>>) src(%arg5 : memref<32x512xf32, #tpu.memory_space<vmem>>) dst(%dma_wait3A_321 : memref<32x512xf32, #tpu.memory_space<hbm>>)
    %dma_wait3A_322 = arith.constant 12 : i32
    %dma_wait3A_323 = arith.constant 0 : i32
    %dma_wait3A_324 = arith.constant 0 : i32
    %dma_wait3A_325 = tpu.memref_slice %arg4[%dma_wait3A_322, %add3A, %dma_wait3A_323, %dma_wait3A_324] : memref<16x32x32x512xf32, #tpu.memory_space<hbm>> -> memref<1x1x32x512xf32, #tpu.memory_space<hbm>>
    %dma_wait3A_326 = tpu.memref_squeeze %dma_wait3A_325 : memref<1x1x32x512xf32, #tpu.memory_space<hbm>> -> memref<32x512xf32, #tpu.memory_space<hbm>>
    %dma_wait3A_327 = arith.constant 0 : i32
    %dma_wait3A_328 = arith.constant 0 : i32
    %dma_wait3A_329 = tpu.memref_slice %arg4[%dma_wait3A_322, %add3A, %dma_wait3A_327, %dma_wait3A_328] : memref<16x32x32x512xf32, #tpu.memory_space<hbm>> -> memref<1x1x32x512xf32, #tpu.memory_space<hbm>>
    %dma_wait3A_330 = tpu.memref_squeeze %dma_wait3A_329 : memref<1x1x32x512xf32, #tpu.memory_space<hbm>> -> memref<32x512xf32, #tpu.memory_space<hbm>>
    tpu.wait_dma2 semaphore(%arg7 : memref<!tpu.dma_semaphore, #tpu.memory_space<semaphore_mem>>) src(%arg5 : memref<32x512xf32, #tpu.memory_space<vmem>>) dst(%dma_wait3A_330 : memref<32x512xf32, #tpu.memory_space<hbm>>)
    %dma_wait3A_331 = arith.constant 13 : i32
    %dma_wait3A_332 = arith.constant 0 : i32
    %dma_wait3A_333 = arith.constant 0 : i32
    %dma_wait3A_334 = tpu.memref_slice %arg4[%dma_wait3A_331, %add3A, %dma_wait3A_332, %dma_wait3A_333] : memref<16x32x32x512xf32, #tpu.memory_space<hbm>> -> memref<1x1x32x512xf32, #tpu.memory_space<hbm>>
    %dma_wait3A_335 = tpu.memref_squeeze %dma_wait3A_334 : memref<1x1x32x512xf32, #tpu.memory_space<hbm>> -> memref<32x512xf32, #tpu.memory_space<hbm>>
    %dma_wait3A_336 = arith.constant 0 : i32
    %dma_wait3A_337 = arith.constant 0 : i32
    %dma_wait3A_338 = tpu.memref_slice %arg4[%dma_wait3A_331, %add3A, %dma_wait3A_336, %dma_wait3A_337] : memref<16x32x32x512xf32, #tpu.memory_space<hbm>> -> memref<1x1x32x512xf32, #tpu.memory_space<hbm>>
    %dma_wait3A_339 = tpu.memref_squeeze %dma_wait3A_338 : memref<1x1x32x512xf32, #tpu.memory_space<hbm>> -> memref<32x512xf32, #tpu.memory_space<hbm>>
    tpu.wait_dma2 semaphore(%arg7 : memref<!tpu.dma_semaphore, #tpu.memory_space<semaphore_mem>>) src(%arg5 : memref<32x512xf32, #tpu.memory_space<vmem>>) dst(%dma_wait3A_339 : memref<32x512xf32, #tpu.memory_space<hbm>>)
    %dma_wait3A_340 = arith.constant 14 : i32
    %dma_wait3A_341 = arith.constant 0 : i32
    %dma_wait3A_342 = arith.constant 0 : i32
    %dma_wait3A_343 = tpu.memref_slice %arg4[%dma_wait3A_340, %add3A, %dma_wait3A_341, %dma_wait3A_342] : memref<16x32x32x512xf32, #tpu.memory_space<hbm>> -> memref<1x1x32x512xf32, #tpu.memory_space<hbm>>
    %dma_wait3A_344 = tpu.memref_squeeze %dma_wait3A_343 : memref<1x1x32x512xf32, #tpu.memory_space<hbm>> -> memref<32x512xf32, #tpu.memory_space<hbm>>
    %dma_wait3A_345 = arith.constant 0 : i32
    %dma_wait3A_346 = arith.constant 0 : i32
    %dma_wait3A_347 = tpu.memref_slice %arg4[%dma_wait3A_340, %add3A, %dma_wait3A_345, %dma_wait3A_346] : memref<16x32x32x512xf32, #tpu.memory_space<hbm>> -> memref<1x1x32x512xf32, #tpu.memory_space<hbm>>
    %dma_wait3A_348 = tpu.memref_squeeze %dma_wait3A_347 : memref<1x1x32x512xf32, #tpu.memory_space<hbm>> -> memref<32x512xf32, #tpu.memory_space<hbm>>
    tpu.wait_dma2 semaphore(%arg7 : memref<!tpu.dma_semaphore, #tpu.memory_space<semaphore_mem>>) src(%arg5 : memref<32x512xf32, #tpu.memory_space<vmem>>) dst(%dma_wait3A_348 : memref<32x512xf32, #tpu.memory_space<hbm>>)
    %dma_wait3A_349 = arith.constant 15 : i32
    %dma_wait3A_350 = arith.constant 0 : i32
    %dma_wait3A_351 = arith.constant 0 : i32
    %dma_wait3A_352 = tpu.memref_slice %arg4[%dma_wait3A_349, %add3A, %dma_wait3A_350, %dma_wait3A_351] : memref<16x32x32x512xf32, #tpu.memory_space<hbm>> -> memref<1x1x32x512xf32, #tpu.memory_space<hbm>>
    %dma_wait3A_353 = tpu.memref_squeeze %dma_wait3A_352 : memref<1x1x32x512xf32, #tpu.memory_space<hbm>> -> memref<32x512xf32, #tpu.memory_space<hbm>>
    %dma_wait3A_354 = arith.constant 0 : i32
    %dma_wait3A_355 = arith.constant 0 : i32
    %dma_wait3A_356 = tpu.memref_slice %arg4[%dma_wait3A_349, %add3A, %dma_wait3A_354, %dma_wait3A_355] : memref<16x32x32x512xf32, #tpu.memory_space<hbm>> -> memref<1x1x32x512xf32, #tpu.memory_space<hbm>>
    %dma_wait3A_357 = tpu.memref_squeeze %dma_wait3A_356 : memref<1x1x32x512xf32, #tpu.memory_space<hbm>> -> memref<32x512xf32, #tpu.memory_space<hbm>>
    tpu.wait_dma2 semaphore(%arg7 : memref<!tpu.dma_semaphore, #tpu.memory_space<semaphore_mem>>) src(%arg5 : memref<32x512xf32, #tpu.memory_space<vmem>>) dst(%dma_wait3A_357 : memref<32x512xf32, #tpu.memory_space<hbm>>)
    return
  }
}

</mosaic_0001>

<sc_bundles>
// kernel: kernel.3.cloned.1.call-start
scs
__scs_entry_jumppad:
0x0: {  	(pc) =	sbr.rel $0x88, $3  }
0x1: {  	(tag) =	ssettag $0x0;
	lr =	simm.s32 $0x1  }
0x2: {  	[smem:$0x3F9F] =	sst lr;
	_ =	strace $0xD0000000  }
0x3: {  	_ = 	snop  }
0x4: {  	_ = 	snop  }
0x5: {  	_ = 	snop  }
0x6: {  	_ = 	snop  }
0x7: {  	_ = 	snop  }
__scs_overlays_trampoline_lowered:
0x8: {  	[smem:$0x3FAE] =	sst s0  }
0x9: {  	[smem:$0x3FAF] =	sst s1  }
0xa: {  	[smem:$0x3FB0] =	sst s2  }
0xb: {  	[smem:$0x3FB1] =	sst s3  }
0xc: {  	[smem:$0x3FB2] =	sst s4  }
0xd: {  	[smem:$0x3FB3] =	sst s5  }
0xe: {  	[smem:$0x3FB4] =	sst s6  }
0xf: {  	[smem:$0x3FB5] =	sst s7  }
0x10: {  	[smem:$0x3FB6] =	sst s8  }
0x11: {  	[smem:$0x3FB7] =	sst s9;
	s0 =	simm.s32 @!p0 $0x0  }
0x12: {  	s1 =	sld [smem:$0x3F9D];
	s0 =	simm.s32 @p0 $0x1  }
0x13: {  	[smem:$0x3FB8] =	sst s0;
	s0 =	simm.s32 @!p1 $0x0  }
0x14: {  	s2 =	sld [smem:$0x3F9C];
	s0 =	simm.s32 @p1 $0x1  }
0x15: {  	[smem:$0x3FB9] =	sst s0;
	s0 =	simm.s32 @!p2 $0x0  }
0x16: {  	s3 =	sld [smem:$0x3FDB];
	s0 =	simm.s32 @p2 $0x1  }
0x17: {  	s4 =	simm.s32 $0x1BF5;
	[smem:$0x3FBB] =	sst s0  }
0x18: {  	s0 =	sld [smem:$0x3F9E];
	_ =	swait.ge [sflag:s4], $0x0  }
0x19: {  	s7 =	sld [smem:$0x3F9F]  }
0x1a: {  	s8 =	sadd.s32 $0xFFFFE003, lr  }
0x1b: {  	s9 =	sadd.s32 $0xFFFFFEF7, lr;
	s5 =	simm.s32 $0xFFFFFFFF;
	p2 =	slt.u32 s8, $0xFFFFF086  }
0x1c: {  	p1 =	slt.u32 s9, $0xF7A;
	s5 =	simm.s32 @!p2 $0x0  }
0x1d: {  	s5 =	simm.s32 @p1 $0x1;
	p0 =	seq.s32 s7, s2  }
0x1e: {  	s7 =	smul.u32 @!p0 $0xF7A, s2;
	p2 =	seq.s32 @!p0 s5, $0x0  }
0x1f: {  	s9 =	smul.u32 $0xF7A, s1;
	s8 =	simm.s32 @!p0 $0x1BF5;
	p2 =	por !p2, p0  }
0x20: {  	[sflag:s8] =	ssyncset.s32 @!p0 $0xFFFFF086;
	s6 =	sadd.s32 @!p0 s3, s7;
	s7 =	simm.s32 @!p0 $0x108  }
0x21: {  	s3 =	sadd.s32 s3, s9;
	s6 =	sadd.s32 @!p0 $0x88, s6;
	s7 =	simm.s32 @p2 $0x1082  }
0x22: {  	[simem:s7], [sflag:s8] =	dma.local @!p0 [hbm:s6], $0xF7A  }
0x23: {  	s9 =	sor.u32 $0xD0000000, s2;
	s6 =	simm.s32 $0x108;
	_ =	swait.ge @!p0 [sflag:s8], $0x0  }
0x24: {  	s3 =	sadd.s32 $0x88, s3;
	s6 =	simm.s32 @!p1 $0x1082;
	[sflag:s4] =	ssyncset.s32 $0xFFFFF086  }
0x25: {  	[simem:s6], [sflag:s4] =	dma.local [hbm:s3], $0xF7A  }
0x26: {  	[smem:$0x3F9F] =	sst s1;
	(tag) =	ssettag s2;
	_ =	strace s9  }
0x27: {  	s1 =	sld [smem:$0x3FAF]  }
0x28: {  	s2 =	sld [smem:$0x3FB0]  }
0x29: {  	s4 =	sld [smem:$0x3FB2]  }
0x2a: {  	p0 =	seq.s32 s5, $0x0;
	s5 =	sld [smem:$0x3FB3]  }
0x2b: {  	s6 =	sld [smem:$0x3FB4]  }
0x2c: {  	s7 =	sld [smem:$0x3FB5]  }
0x2d: {  	s3 =	simm.s32 $0x108;
	s8 =	sld [smem:$0x3FB6]  }
0x2e: {  	s3 =	simm.s32 @!p0 $0x1082;
	s9 =	sld [smem:$0x3FB7]  }
0x2f: {  	lr =	sadd.s32 s0, s3;
	s0 =	sld [smem:$0x3FAE]  }
0x30: {  	s3 =	sld [smem:$0x3FB1]  }
0x31: {  	[smem:$0x3FBA] =	sst s10  }
0x32: {  	s10 =	sld [smem:$0x3FB8];
	_ =	sdelay $0x3  }
0x33: {  	p0 =	seq.s32 s10, $0x1;
	s10 =	sld [smem:$0x3FBA];
	_ =	sdelay $0x3  }
0x34: {  	[smem:$0x3FBA] =	sst s10  }
0x35: {  	s10 =	sld [smem:$0x3FB9];
	_ =	sdelay $0x3  }
0x36: {  	p1 =	seq.s32 s10, $0x1;
	s10 =	sld [smem:$0x3FBA];
	_ =	sdelay $0x3  }
0x37: {  	[smem:$0x3FBA] =	sst s10  }
0x38: {  	s10 =	sld [smem:$0x3FBB]  }
0x39: {  	_ = 	snop;
	(pc) =	sbr.ind lr, $3  }
0x3a: {  	_ = 	snop  }
0x3b: {  	_ = 	snop  }
0x3c: {  	p2 =	seq.s32 s10, $0x1;
	s10 =	sld [smem:$0x3FBA]  }
0x3d: {  	_ =	shalt  }
0x3e: {  	_ =	shalt  }
0x3f: {  	_ =	shalt  }
0x40: {  	_ =	shalt  }
0x41: {  	_ =	shalt  }
0x42: {  	_ =	shalt  }
0x43: {  	_ =	shalt  }
0x44: {  	_ =	shalt  }
0x45: {  	_ =	shalt  }
0x46: {  	_ =	shalt  }
0x47: {  	_ =	shalt  }
0x48: {  	_ =	shalt  }
0x49: {  	_ =	shalt  }
0x4a: {  	_ =	shalt  }
0x4b: {  	_ =	shalt  }
0x4c: {  	_ =	shalt  }
0x4d: {  	_ =	shalt  }
0x4e: {  	_ =	shalt  }
0x4f: {  	_ =	shalt  }
0x50: {  	_ =	shalt  }
0x51: {  	_ =	shalt  }
0x52: {  	_ =	shalt  }
0x53: {  	_ =	shalt  }
0x54: {  	_ =	shalt  }
0x55: {  	_ =	shalt  }
0x56: {  	_ =	shalt  }
0x57: {  	_ =	shalt  }
0x58: {  	_ =	shalt  }
0x59: {  	_ =	shalt  }
0x5a: {  	_ =	shalt  }
0x5b: {  	_ =	shalt  }
0x5c: {  	_ =	shalt  }
0x5d: {  	_ =	shalt  }
0x5e: {  	_ =	shalt  }
0x5f: {  	_ =	shalt  }
0x60: {  	_ =	shalt  }
0x61: {  	_ =	shalt  }
0x62: {  	_ =	shalt  }
0x63: {  	_ =	shalt  }
0x64: {  	_ =	shalt  }
0x65: {  	_ =	shalt  }
0x66: {  	_ =	shalt  }
0x67: {  	_ =	shalt  }
0x68: {  	_ =	shalt  }
0x69: {  	_ =	shalt  }
0x6a: {  	_ =	shalt  }
0x6b: {  	_ =	shalt  }
0x6c: {  	_ =	shalt  }
0x6d: {  	_ =	shalt  }
0x6e: {  	_ =	shalt  }
0x6f: {  	_ =	shalt  }
0x70: {  	_ =	shalt  }
0x71: {  	_ =	shalt  }
0x72: {  	_ =	shalt  }
0x73: {  	_ =	shalt  }
0x74: {  	_ =	shalt  }
0x75: {  	_ =	shalt  }
0x76: {  	_ =	shalt  }
0x77: {  	_ =	shalt  }
0x78: {  	_ =	shalt  }
0x79: {  	_ =	shalt  }
0x7a: {  	_ =	shalt  }
0x7b: {  	_ =	shalt  }
0x7c: {  	_ =	shalt  }
0x7d: {  	_ =	shalt  }
0x7e: {  	_ =	shalt  }
0x7f: {  	_ =	shalt  }
0x80: {  	_ =	shalt  }
0x81: {  	_ =	shalt  }
0x82: {  	_ =	shalt  }
0x83: {  	_ =	shalt  }
0x84: {  	_ =	shalt  }
0x85: {  	_ =	shalt  }
0x86: {  	_ =	shalt  }
0x87: {  	_ =	shalt  }
.Lfunc_end0:
.L_simem_size_0:
called_computation_lowered:
.L_overlay_start_0:
0x88: {  	s2 =	sld [smem:$0x3FD9]  }
0x89: {  	s3 =	sld [smem:$0x3FFE];
	_ =	sdelay $0x1  }
0x8a: {  	s1 =	srdreg.scid  }
0x8b: {  	s0 =	sand.u32 $0x1, s1  }
0x8c: {  	s18 =	sshll.u32 s0, $0xA;
	s2 =	sadd.s32 s3, s2  }
0x8d: {  	s2 =	sadd.s32 s2, s18  }
0x8e: {  	[smem:$0x3FC6] =	sst s2  }
0x8f: {  	_ = 	snop  }
0x90: {  	s2 =	sld [smem:$0x3FC9]  }
0x91: {  	s19 =	sld [smem:$0x3FC8]  }
0x92: {  	s4 =	sld [smem:$0x3FD0];
	(tm) =	ssettm $0x1  }
0x93: {  	s5 =	sld [smem:$0x3FFB];
	_ =	sdelay $0x3  }
0x94: {  	_ =	strace s5  }
0x95: {  	s5 =	sld [smem:$0x3FFC];
	_ =	sdelay $0x3  }
0x96: {  	_ =	strace s5  }
0x97: {  	s5 =	sld [smem:$0x3FFD];
	_ =	sdelay $0x3  }
0x98: {  	_ =	strace s5  }
0x99: {  	_ =	strace $0x8FFFFFFF  }
0x9a: {  	s20 =	sld [smem:$0x3FDB];
	_ =	sdelay $0x1  }
0x9b: {  	s6 =	simm.s32 $_scs_section_size  }
0x9c: {  	s7 =	simm.s32 $_size__tile_overlayer_lowered;
	s8 =	simm.s32 $_tile_overlayer_lowered  }
0x9d: {  	s23 =	simm.s32 $0x1BFF;
	s22 =	sshll.u32 s8, $0x1;
	s5 =	sadd.s32 s6, s20  }
0x9e: {  	s9 =	simm.s32 $0x0;
	s21 =	sshll.u32 s7, $0x1;
	s7 =	sadd.s32 s22, s5  }
0x9f: {  	[timem:s9], [sflag:s23] =	dma.local [hbm:s7], s21  }
0xa0: {  	_ =	swait.ge [sflag:s23], s21  }
0xa1: {  	s6 =	ssub.s32 $0x0, s21;
	[sflag:s23] =	ssyncset.done $0x0  }
0xa2: {  	[sflag:s23] =	ssyncadd.s32 s6;
	_ =	sdelay $0x1  }
0xa3: {  	s24 =	simm.s32 $0x1B8B  }
0xa4: {  	_ =	swait.ge [sflag:s24], $0x1  }
0xa5: {  	[sflag:s24] =	ssyncset.done $0x0  }
0xa6: {  	s25 =	simm.s32 $0x1B8E;
	[sflag:s24] =	ssyncadd.s32 $0xFFFFFFFF  }
0xa7: {  	s26 =	simm.s32 $execute0_lowered;
	[smem:$0x3FD2] =	sst s25  }
0xa8: {  	s6 =	sshll.u32 s26, $0x1;
	_ =	strace $0x80000046;
	[dreg:$0x1] =	wrdreg $0xFFFFFFFF  }
0xa9: {  	s28 =	simm.s32 $_size_execute0_lowered;
	s5 =	sadd.s32 s5, s6;
	[dreg:$0x0] =	wrdreg $0x0  }
0xaa: {  	s6 =	sshll.u32 s28, $0x1;
	[dreg:$0x2] =	wrdreg s5  }
0xab: {  	[dreg:$0x3] =	wrdreg s6  }
0xac: {  	[dreg:$0x4] =	wrdreg $0xC0  }
0xad: {  	_ =	task [dreg:s9], $0x5FFFF  }
0xae: {  	[dreg:$0x1] =	wrdreg $0xFFFFFFFF  }
0xaf: {  	[dreg:$0x0] =	wrdreg $0x60  }
0xb0: {  	[dreg:$0x2] =	wrdreg s2  }
0xb1: {  	[dreg:$0x3] =	wrdreg s19  }
0xb2: {  	[dreg:$0x4] =	wrdreg s4  }
0xb3: {  	[dreg:$0x5] =	wrdreg $0x9  }
0xb4: {  	_ =	task.clear_ibuf [dreg:s9], $0x6FFFF;
	_ =	strace $0x90000046  }
0xb5: {  	s29 =	simm.s32 $0x9;
	_ =	strace $0x80000048  }
0xb6: {  	_ =	swait.ge [sflag:s29], $0x1  }
0xb7: {  	[sflag:s29] =	ssyncadd.s32 $0xFFFFFFFF  }
0xb8: {  	_ =	strace $0x90000048  }
0xb9: {  	_ =	sfence  }
0xba: {  	s30 =	sld [smem:$0x0];
	_ =	sdelay $0x2  }
0xbb: {  	s31 =	sshll.u32 s1, $0xD;
	s1 =	sshrl.u32 s1, $0x2  }
0xbc: {  	s3 =	sand.u32 $0x4000, s31;
	s1 =	sadd.s32 s1, s30  }
0xbd: {  	s0 =	sor.u32 s3, s0;
	s1 =	sshll.u32 s1, $0x11  }
0xbe: {  	s0 =	sor.u32 s1, s0  }
0xbf: {  	s0 =	sadd.s32 $0x8F2B, s0  }
0xc0: {  	[sflag:s0] =	ssyncadd.remote.s32 $0x1  }
0xc1: {  	_ =	sfence.sel $0xFFFF  }
0xc2: {  	[dreg:$0x0] =	wrdreg $0xFFFFFFFF;
	(pc) =	sbr.abs _section_cstart, $3  }
0xc3: {  	[dreg:$0x1] =	wrdreg $0xFFFFFFFF  }
0xc4: {  	_ =	task.clear_ibuf [dreg:s9], $0x2FFFF;
	_ =	strace $0x9FFFFFFF  }
0xc5: {  	(tm) =	ssettm $0x7FFFFFFF  }
tec
execute0_lowered:
.L_overlay_start_1:
0x0: {  	(tag) =	ssettag $0x1  }
0x1: {  	s0 =	rddreg [dreg:$0x0]  }
0x2: {  	s26 =	rddreg [dreg:$0x1]  }
0x3: {  	s1 =	rddreg [dreg:$0x2];
	s3 =	srdreg.scid;
	s2 =	simm.s32 $0x0  }
0x4: {  	s7 =	stileid.u32;
	s31 =	simm.s32 $0x2;
	s3 =	sand.u32 $0x1, s3  }
0x5: {  	[smem:$0x7FF] =	sst s2;
	s28 =	sshll.u32 s7, $0x1;
	s6 =	sshrl.u32 s7, $0x2  }
0x6: {  	s7 =	sshll.u32 s7, $0x9;
	s24 =	sadd.s32 $0x100, s26;
	s25 =	sadd.s32 $0x200, s26  }
0x7: {  	s26 =	sadd.s32 $0x300, s26;
	s4 =	ssub.s32 $0x2, s3;
	_ =	strace $0x80000047  }
0x8: {  	s3 =	sor.u32 s3, s28;
	s29 =	sshll.u32 s6, $0xB;
	s6 =	sshll.u32 s6, $0x8  }
0x9: {  	s5 =	sshrl.u32 s4, $0x1;
	s30 =	sshll.u32 s3, $0x7;
	s3 =	sshll.u32 s3, $0xB  }
0xa: {  	s0 =	sadd.s32 s0, s6;
	s4 =	ssub.s32 s4, s5;
	s5 =	ssub.s32 s7, s29  }
0xb: {  	s7 =	sand.u32 $0x380, s30;
	[dreg:$0x4] =	wrdreg s0;
	s6 =	sadd.s32 s1, s3  }
0xc: {  	s3 =	simm.s32 $0x1;
	s1 =	simm.s32 $0x0;
	s5 =	sand.u32 $0xFFFFF800, s5  }
0xd: {  	s8 =	sadd.s32 $0x10000, s6;
	s9 =	sadd.s32 $0x20000, s6;
	s10 =	sadd.s32 $0x30000, s6  }
0xe: {  	s11 =	sadd.s32 $0x40000, s6;
	s12 =	sadd.s32 $0x50000, s6;
	s13 =	sadd.s32 $0x60000, s6  }
0xf: {  	s14 =	sadd.s32 $0x70000, s6;
	s15 =	sadd.s32 $0x80000, s6;
	s16 =	sadd.s32 $0x90000, s6  }
0x10: {  	s17 =	sadd.s32 $0xA0000, s6;
	s18 =	sadd.s32 $0xB0000, s6;
	s19 =	sadd.s32 $0xC0000, s6  }
0x11: {  	s20 =	sadd.s32 $0xD0000, s6;
	s21 =	sadd.s32 $0xE0000, s6;
	s5 =	sor.u32 s7, s5  }
0x12: {  	s22 =	sadd.s32 $0xF0000, s6;
	s23 =	smax.u32 s4, $0x1;
	s7 =	sadd.s32 $0x4000, s5  }
.LBB2_1:
0x13: {  	s0 =	rddreg [dreg:$0x1]  }
0x14: {  	[tilespmem:s2], [sflag:$0x2] =	stream.linear.gather [hbm4b:s0+s2], $0x800, $0x38;
	[tilespmem:$0x4800] =	vst v63  }
0x15: {  	s4 =	simm.s32 $0x1000  }
0x16: {  	[tilespmem:s4], [sflag:$0x2] =	stream.linear.gather [hbm4b:s24+s2], $0x800, $0x38;
	[tilespmem:$0x4800] =	vst v63  }
0x17: {  	s4 =	simm.s32 $0x2000  }
0x18: {  	[tilespmem:s4], [sflag:$0x2] =	stream.linear.gather [hbm4b:s25+s2], $0x800, $0x38;
	[tilespmem:$0x4800] =	vst v63  }
0x19: {  	s4 =	simm.s32 $0x3000  }
0x1a: {  	[tilespmem:s4], [sflag:$0x2] =	stream.linear.gather [hbm4b:s26+s2], $0x800, $0x38;
	[tilespmem:$0x4800] =	vst v63  }
0x1b: {  	_ =	swait.ge [sflag:s31], $0x2000  }
0x1c: {  	[sflag:s31] =	ssyncset.done $0x0  }
0x1d: {  	s4 =	simm.s32 $0x4000;
	s0 =	rddreg [dreg:$0x4];
	[sflag:s31] =	ssyncadd.s32 $0xFFFFE000  }
0x1e: {  	[tilespmem:s4], [sflag:$0x2] =	stream.linear.gather [hbm4b:s0+s2], $0x800, $0x38;
	[tilespmem:$0x4800] =	vst v63  }
0x1f: {  	_ =	swait.ge [sflag:s31], $0x800  }
0x20: {  	[sflag:s31] =	ssyncset.done $0x0  }
0x21: {  	[sflag:s31] =	ssyncadd.s32 $0xFFFFF800  }
0x22: {  	v0 =	vld [tilespmem:s5+$0x4000]  }
0x23: {  	v1 =	vld [tilespmem:s7+$0x10]  }
0x24: {  	v2 =	vld [tilespmem:s7+$0x20]  }
0x25: {  	v3 =	vld [tilespmem:s7+$0x30]  }
0x26: {  	v4 =	vld [tilespmem:s7+$0x40]  }
0x27: {  	v5 =	vld [tilespmem:s7+$0x50]  }
0x28: {  	v6 =	vld [tilespmem:s7+$0x60]  }
0x29: {  	v7 =	vld [tilespmem:s7+$0x70]  }
0x2a: {  	v8 =	vld [tilespmem:s7+$0x400]  }
0x2b: {  	v9 =	vld [tilespmem:s7+$0x410]  }
0x2c: {  	v15 =	vld [tilespmem:s7+$0x470]  }
0x2d: {  	v10 =	vld [tilespmem:s7+$0x420]  }
0x2e: {  	v11 =	vld [tilespmem:s7+$0x430]  }
0x2f: {  	s0 =	sand.u32 $0x3000, s2;
	s4 =	sand.u32 $0x380, s2;
	v12 =	vld [tilespmem:s7+$0x440]  }
0x30: {  	s28 =	sor.u32 s4, s0;
	v13 =	vld [tilespmem:s7+$0x450]  }
0x31: {  	v14 =	vld [tilespmem:s7+$0x460];
	[tilespmem:s28+$0xC70] =	vst v15  }
0x32: {  	[tilespmem:s28+$0x800] =	vst v0  }
0x33: {  	[tilespmem:s28+$0x810] =	vst v1  }
0x34: {  	[tilespmem:s28+$0x820] =	vst v2  }
0x35: {  	[tilespmem:s28+$0x830] =	vst v3  }
0x36: {  	[tilespmem:s28+$0x840] =	vst v4  }
0x37: {  	[tilespmem:s28+$0x850] =	vst v5  }
0x38: {  	[tilespmem:s28+$0x860] =	vst v6  }
0x39: {  	[tilespmem:s28+$0x870] =	vst v7  }
0x3a: {  	[tilespmem:s28+$0xC00] =	vst v8  }
0x3b: {  	[tilespmem:s28+$0xC10] =	vst v9  }
0x3c: {  	[tilespmem:s28+$0xC20] =	vst v10  }
0x3d: {  	[tilespmem:s28+$0xC30] =	vst v11  }
0x3e: {  	s29 =	simm.s32 $0x80;
	s4 =	simm.s32 $0x200;
	[tilespmem:s28+$0xC40] =	vst v12  }
0x3f: {  	s30 =	simm.s32 $0x400;
	s0 =	sand.u32 $0x3000, s4;
	s4 =	sand.u32 $0x380, s29;
	[tilespmem:s28+$0xC50] =	vst v13  }
.LBB2_2:
0x40: {  	p0 =	sne.s32 s30, $0x3E00;
	[tilespmem:s28+$0xC60] =	vst v14;
	s28 =	sor.u32 s4, s0  }
0x41: {  	[tilespmem:s28+$0xC70] =	vst v15  }
0x42: {  	[tilespmem:s28+$0x800] =	vst v0  }
0x43: {  	[tilespmem:s28+$0x810] =	vst v1  }
0x44: {  	[tilespmem:s28+$0x820] =	vst v2  }
0x45: {  	[tilespmem:s28+$0x830] =	vst v3  }
0x46: {  	[tilespmem:s28+$0x840] =	vst v4  }
0x47: {  	[tilespmem:s28+$0x850] =	vst v5  }
0x48: {  	[tilespmem:s28+$0x860] =	vst v6  }
0x49: {  	[tilespmem:s28+$0x870] =	vst v7  }
0x4a: {  	[tilespmem:s28+$0xC00] =	vst v8  }
.Ltmp0:
0x4b: {  	[tilespmem:s28+$0xC10] =	vst v9;
	(pc) =	sbr.rel @p0 .LBB2_2-.Ltmp0, $4  }
0x4c: {  	[tilespmem:s28+$0xC20] =	vst v10  }
0x4d: {  	[tilespmem:s28+$0xC30] =	vst v11  }
0x4e: {  	s29 =	sadd.s32 $0x80, s29;
	[tilespmem:s28+$0xC40] =	vst v12  }
0x4f: {  	s0 =	sand.u32 $0x3000, s30;
	s30 =	sadd.s32 $0x200, s30;
	s4 =	sand.u32 $0x380, s29;
	[tilespmem:s28+$0xC50] =	vst v13  }
0x50: {  	s0 =	sor.u32 s4, s0;
	[tilespmem:s28+$0xC60] =	vst v14  }
0x51: {  	[tilespmem:s0+$0xC70] =	vst v15  }
0x52: {  	[tilespmem:s0+$0x800] =	vst v0  }
0x53: {  	[tilespmem:s0+$0x810] =	vst v1  }
0x54: {  	[tilespmem:s0+$0x820] =	vst v2  }
0x55: {  	[tilespmem:s0+$0x830] =	vst v3  }
0x56: {  	[tilespmem:s0+$0x840] =	vst v4  }
0x57: {  	[tilespmem:s0+$0x850] =	vst v5  }
0x58: {  	[tilespmem:s0+$0x860] =	vst v6  }
0x59: {  	[tilespmem:s0+$0x870] =	vst v7  }
0x5a: {  	[tilespmem:s0+$0xC00] =	vst v8  }
0x5b: {  	[tilespmem:s0+$0xC10] =	vst v9  }
0x5c: {  	[tilespmem:s0+$0xC20] =	vst v10  }
0x5d: {  	[tilespmem:s0+$0xC30] =	vst v11  }
0x5e: {  	[tilespmem:s0+$0xC40] =	vst v12  }
0x5f: {  	[tilespmem:s0+$0xC50] =	vst v13  }
0x60: {  	[tilespmem:s0+$0xC60] =	vst v14  }
0x61: {  	[hbm4b:s6+s2] =	stream.linear.scatter [tilespmem:s2], [sflag:$0x1], $0x4000, $0x38;
	[tilespmem:$0x4800] =	vst v63  }
0x62: {  	_ = 	snop  }
0x63: {  	[hbm4b:s8+s2] =	stream.linear.scatter [tilespmem:s2], [sflag:$0x1], $0x4000, $0x38;
	[tilespmem:$0x4800] =	vst v63  }
0x64: {  	_ = 	snop  }
0x65: {  	[hbm4b:s9+s2] =	stream.linear.scatter [tilespmem:s2], [sflag:$0x1], $0x4000, $0x38;
	[tilespmem:$0x4800] =	vst v63  }
0x66: {  	_ = 	snop  }
0x67: {  	[hbm4b:s10+s2] =	stream.linear.scatter [tilespmem:s2], [sflag:$0x1], $0x4000, $0x38;
	[tilespmem:$0x4800] =	vst v63  }
0x68: {  	_ = 	snop  }
0x69: {  	[hbm4b:s11+s2] =	stream.linear.scatter [tilespmem:s2], [sflag:$0x1], $0x4000, $0x38;
	[tilespmem:$0x4800] =	vst v63  }
0x6a: {  	_ = 	snop  }
0x6b: {  	[hbm4b:s12+s2] =	stream.linear.scatter [tilespmem:s2], [sflag:$0x1], $0x4000, $0x38;
	[tilespmem:$0x4800] =	vst v63  }
0x6c: {  	_ = 	snop  }
0x6d: {  	[hbm4b:s13+s2] =	stream.linear.scatter [tilespmem:s2], [sflag:$0x1], $0x4000, $0x38;
	[tilespmem:$0x4800] =	vst v63  }
0x6e: {  	_ = 	snop  }
0x6f: {  	[hbm4b:s14+s2] =	stream.linear.scatter [tilespmem:s2], [sflag:$0x1], $0x4000, $0x38;
	[tilespmem:$0x4800] =	vst v63  }
0x70: {  	_ = 	snop  }
0x71: {  	[hbm4b:s15+s2] =	stream.linear.scatter [tilespmem:s2], [sflag:$0x1], $0x4000, $0x38;
	[tilespmem:$0x4800] =	vst v63  }
0x72: {  	_ = 	snop  }
0x73: {  	[hbm4b:s16+s2] =	stream.linear.scatter [tilespmem:s2], [sflag:$0x1], $0x4000, $0x38;
	[tilespmem:$0x4800] =	vst v63  }
0x74: {  	_ = 	snop  }
0x75: {  	[hbm4b:s17+s2] =	stream.linear.scatter [tilespmem:s2], [sflag:$0x1], $0x4000, $0x38;
	[tilespmem:$0x4800] =	vst v63  }
0x76: {  	_ = 	snop  }
0x77: {  	[hbm4b:s18+s2] =	stream.linear.scatter [tilespmem:s2], [sflag:$0x1], $0x4000, $0x38;
	[tilespmem:$0x4800] =	vst v63  }
0x78: {  	_ = 	snop  }
0x79: {  	[hbm4b:s19+s2] =	stream.linear.scatter [tilespmem:s2], [sflag:$0x1], $0x4000, $0x38;
	[tilespmem:$0x4800] =	vst v63  }
0x7a: {  	_ = 	snop  }
0x7b: {  	[hbm4b:s20+s2] =	stream.linear.scatter [tilespmem:s2], [sflag:$0x1], $0x4000, $0x38;
	[tilespmem:$0x4800] =	vst v63  }
0x7c: {  	_ = 	snop  }
0x7d: {  	[hbm4b:s21+s2] =	stream.linear.scatter [tilespmem:s2], [sflag:$0x1], $0x4000, $0x38;
	[tilespmem:$0x4800] =	vst v63  }
0x7e: {  	_ = 	snop  }
0x7f: {  	[hbm4b:s22+s2] =	stream.linear.scatter [tilespmem:s2], [sflag:$0x1], $0x4000, $0x38;
	[tilespmem:$0x4800] =	vst v63  }
0x80: {  	_ =	swait.ge [sflag:s3], $0x4000  }
0x81: {  	[sflag:s3] =	ssyncset.done $0x0  }
0x82: {  	[sflag:s3] =	ssyncadd.s32 $0xFFFFC000  }
0x83: {  	_ =	swait.ge [sflag:s3], $0x4000  }
0x84: {  	[sflag:s3] =	ssyncset.done $0x0  }
0x85: {  	[sflag:s3] =	ssyncadd.s32 $0xFFFFC000  }
0x86: {  	_ =	swait.ge [sflag:s3], $0x4000  }
0x87: {  	[sflag:s3] =	ssyncset.done $0x0  }
0x88: {  	[sflag:s3] =	ssyncadd.s32 $0xFFFFC000  }
0x89: {  	_ =	swait.ge [sflag:s3], $0x4000  }
0x8a: {  	[sflag:s3] =	ssyncset.done $0x0  }
0x8b: {  	[sflag:s3] =	ssyncadd.s32 $0xFFFFC000  }
0x8c: {  	_ =	swait.ge [sflag:s3], $0x4000  }
0x8d: {  	[sflag:s3] =	ssyncset.done $0x0  }
0x8e: {  	[sflag:s3] =	ssyncadd.s32 $0xFFFFC000  }
0x8f: {  	_ =	swait.ge [sflag:s3], $0x4000  }
0x90: {  	[sflag:s3] =	ssyncset.done $0x0  }
0x91: {  	[sflag:s3] =	ssyncadd.s32 $0xFFFFC000  }
0x92: {  	_ =	swait.ge [sflag:s3], $0x4000  }
0x93: {  	[sflag:s3] =	ssyncset.done $0x0  }
0x94: {  	[sflag:s3] =	ssyncadd.s32 $0xFFFFC000  }
0x95: {  	_ =	swait.ge [sflag:s3], $0x4000  }
0x96: {  	[sflag:s3] =	ssyncset.done $0x0  }
0x97: {  	[sflag:s3] =	ssyncadd.s32 $0xFFFFC000  }
0x98: {  	_ =	swait.ge [sflag:s3], $0x4000  }
0x99: {  	[sflag:s3] =	ssyncset.done $0x0  }
0x9a: {  	[sflag:s3] =	ssyncadd.s32 $0xFFFFC000  }
0x9b: {  	_ =	swait.ge [sflag:s3], $0x4000  }
0x9c: {  	[sflag:s3] =	ssyncset.done $0x0  }
0x9d: {  	[sflag:s3] =	ssyncadd.s32 $0xFFFFC000  }
0x9e: {  	_ =	swait.ge [sflag:s3], $0x4000  }
0x9f: {  	[sflag:s3] =	ssyncset.done $0x0  }
0xa0: {  	[sflag:s3] =	ssyncadd.s32 $0xFFFFC000  }
0xa1: {  	_ =	swait.ge [sflag:s3], $0x4000  }
0xa2: {  	[sflag:s3] =	ssyncset.done $0x0  }
0xa3: {  	[sflag:s3] =	ssyncadd.s32 $0xFFFFC000  }
0xa4: {  	_ =	swait.ge [sflag:s3], $0x4000  }
0xa5: {  	[sflag:s3] =	ssyncset.done $0x0  }
0xa6: {  	[sflag:s3] =	ssyncadd.s32 $0xFFFFC000  }
0xa7: {  	_ =	swait.ge [sflag:s3], $0x4000  }
0xa8: {  	[sflag:s3] =	ssyncset.done $0x0  }
0xa9: {  	s1 =	sadd.s32 $0x1, s1;
	[sflag:s3] =	ssyncadd.s32 $0xFFFFC000  }
0xaa: {  	p0 =	sne.s32 s1, s23;
	_ =	swait.ge [sflag:s3], $0x4000  }
.Ltmp1:
0xab: {  	[sflag:s3] =	ssyncset.done $0x0;
	(pc) =	sbr.rel @p0 .LBB2_1-.Ltmp1, $4  }
0xac: {  	[sflag:s3] =	ssyncadd.s32 $0xFFFFC000  }
0xad: {  	_ =	swait.ge [sflag:s3], $0x4000  }
0xae: {  	[sflag:s3] =	ssyncset.done $0x0  }
0xaf: {  	[sflag:s3] =	ssyncadd.s32 $0xFFFFC000  }
0xb0: {  	_ =	sfence.sel $0x180000  }
0xb1: {  	[bflag:$0x0] =	sbarrier.arrive $0xFFFF  }
0xb2: {  	_ =	strace $0x90000047  }
0xb3: {  	s0 =	stileid.u32;
	[bflag:$0x2] =	sbarrier.arrive $0xFFFF  }
0xb4: {  	p0 =	sne.s32 s0, $0x0;
	s0 =	rddreg [dreg:$0x3]  }
0xb5: {  	s0 =	sadd.s32 @!p0 $0x100000, s0  }
0xb6: {  	[sflag:s0] =	ssyncadd.tile.s32 @!p0 $0x1;
	_ =	shalt  }
.Lfunc_end2:
_tile_overlayer_lowered:
.L_overlay_start_2:
0xb7: {  	(tag) =	ssettag $0x2  }
0xb8: {  	s0 =	rddreg [dreg:$0x0];
	s2 =	stileid.u32  }
0xb9: {  	s1 =	rddreg [dreg:$0x1];
	p0 =	sne.s32 s2, $0x0  }
0xba: {  	s3 =	rddreg [dreg:$0x2];
	[bflag:$0x3] =	sbarrier.arrive $0xFFFF;
	s2 =	simm.s32 @!p0 $0x1C02  }
0xbb: {  	[timem:s3], [sflag:s2] =	dma.local @!p0 [hbm:s0], s1  }
0xbc: {  	s0 =	simm.s32 @!p0 $0x2  }
0xbd: {  	_ =	swait.ge @!p0 [sflag:s0], s1  }
0xbe: {  	s1 =	ssub.s32 @!p0 $0x0, s1;
	[sflag:s0] =	ssyncset.done @!p0 $0x0  }
0xbf: {  	[sflag:s0] =	ssyncadd.s32 @!p0 s1  }
0xc0: {  	[bflag:$0x3] =	sbarrier.arrive $0xFFFF  }
0xc1: {  	_ =	shalt  }

</sc_bundles>
